<compile_context>
chip_gen: v7x
topology: tpu7x:2x2x1
jax: 0.10.2.dev20260603
libtpu: 0.0.44.dev20260713+nightly
codegen_flags: <defaults>
</compile_context>

<pallas_src>
import jax
import jax.numpy as jnp
from jax import lax
from jax.experimental import pallas as pl
from jax.experimental.pallas import tpu as pltpu
from jax.experimental.pallas import tpu_sc as plsc

NUM_CLASSES = 1000
BATCH = 16384
NC, NS, L = 2, 16, 16
NW = NC * NS
COLS_W = BATCH // NW
R = 64
NCH = -(-NUM_CLASSES // R)
R_LAST = NUM_CLASSES - (NCH - 1) * R
NVREG = COLS_W // L


def _sc_body(idx_hbm, out_hbm, idx_v, buf0, buf1, sem0, sem1, sem_idx):
    wid = lax.axis_index("s") * NC + lax.axis_index("c")
    c0 = wid * COLS_W
    idx_copy = pltpu.make_async_copy(
        idx_hbm.at[pl.ds(c0, COLS_W)], idx_v, sem_idx
    )
    idx_copy.start()

    bufs = (buf0, buf1)
    sems = (sem0, sem1)
    zeros16 = jnp.zeros((L,), jnp.float32)
    ones16 = jnp.ones((L,), jnp.float32)
    lane_iota = lax.iota(jnp.int32, L)

    def zero_buf(buf):
        def zbody(r, _):
            def zcol(g, _):
                for u in range(4):
                    buf[r, pl.ds(g * (4 * L) + u * L, L)] = zeros16
                return 0

            lax.fori_loop(0, COLS_W // (4 * L), zcol, 0)
            return 0

        lax.fori_loop(0, R, zbody, 0)

    def in_range(row, n):
        return plsc.bitcast(row, jnp.uint32) < jnp.uint32(n)

    def process_chunk(i, b, rows_new, first):
        buf = bufs[b]
        rbase_new = i * R

        if not first:
            pltpu.make_async_copy(
                buf, out_hbm.at[pl.ds(0, R), pl.ds(c0, COLS_W)], sems[b]
            ).wait()

        def scan_body(g, _):
            off = g * L
            idxv = idx_v[pl.ds(off, L)]
            col = lane_iota + off
            new_row = idxv - rbase_new
            old_row = new_row + 2 * R
            plsc.store_scatter(
                buf, [old_row, col], zeros16, mask=in_range(old_row, R)
            )
            plsc.store_scatter(
                buf, [new_row, col], ones16, mask=in_range(new_row, rows_new)
            )
            return 0

        lax.fori_loop(0, NVREG, scan_body, 0)

        src = buf if rows_new == R else buf.at[pl.ds(0, rows_new)]
        dst = out_hbm.at[pl.ds(rbase_new, rows_new), pl.ds(c0, COLS_W)]
        pltpu.async_copy(src, dst, sems[b])

    zero_buf(buf0)
    idx_copy.wait()
    process_chunk(0, 0, R, True)
    zero_buf(buf1)
    process_chunk(1, 1, R, True)

    def body(j, _):
        for b in range(2):
            process_chunk(j * 2 + b, b, R, False)
        return 0

    lax.fori_loop(1, (NCH - 2) // 2, body, 0)
    process_chunk(NCH - 2, 0, R, False)
    process_chunk(NCH - 1, 1, R_LAST, False)

    pltpu.make_async_copy(
        bufs[0], out_hbm.at[pl.ds(0, R), pl.ds(c0, COLS_W)], sems[0]
    ).wait()
    pltpu.make_async_copy(
        bufs[1].at[pl.ds(0, R_LAST)],
        out_hbm.at[pl.ds(0, R_LAST), pl.ds(c0, COLS_W)],
        sems[1],
    ).wait()


def kernel(indices):
    k = pl.kernel(
        _sc_body,
        out_type=jax.ShapeDtypeStruct((NUM_CLASSES, BATCH), jnp.float32),
        mesh=plsc.VectorSubcoreMesh(
            core_axis_name="c", subcore_axis_name="s",
            num_cores=NC, num_subcores=NS,
        ),
        scratch_types=[
            pltpu.VMEM((COLS_W,), jnp.int32),
            pltpu.VMEM((R, COLS_W), jnp.float32),
            pltpu.VMEM((R, COLS_W), jnp.float32),
            pltpu.SemaphoreType.DMA,
            pltpu.SemaphoreType.DMA,
            pltpu.SemaphoreType.DMA,
        ],
        compiler_params=pltpu.CompilerParams(
            needs_layout_passes=False,
            use_tc_tiling_on_sc=True,
            disable_bounds_checks=True,
            disable_semaphore_checks=True,
            skip_device_barrier=True,
        ),
    )
    return k(indices.astype(jnp.int32)).T

# --- scband reference (transcript-rebuilt; emitter-appended) ---
"""Pipeline reference for scband-one-hot-embedding-20023137534351 (READ-ONLY COPY).

The authoritative reference and input builder live on the scoring server;
editing this copy changes nothing except your own understanding.
"""

import jax, jax.numpy as jnp
import numpy as np

NUM_EMBEDDINGS = 1000
BATCH = 16384

def setup_inputs(seed: int = 0) -> dict:
    key = jax.random.key(seed)
    indices = jax.random.randint(key, (BATCH,), 0, NUM_EMBEDDINGS, dtype=jnp.int64 if jax.config.jax_enable_x64 else jnp.int32)
    return {"indices": indices}

def reference(indices) -> jnp.ndarray:
    # Faithful translation of OneHotEmbedding.forward:
    # embeddings = zeros(len(indices), num_embeddings); embeddings[range(B), indices] = 1
    B = indices.shape[0]
    embeddings = jnp.zeros((B, NUM_EMBEDDINGS), dtype=jnp.float32)
    embeddings = embeddings.at[jnp.arange(B), indices].set(1.0)
    return embeddings

if __name__ == "__main__":
    import jax
    _d = setup_inputs()
    print(jax.jit(kernel)(*tuple(_d.values())))

</pallas_src>

<mosaic_0001>
#map = affine_map<(d0, d1) -> (0)>
#map1 = affine_map<(d0, d1) -> (0, 0)>
module attributes {stable_mosaic.version = 14 : i64} {
  func.func @_sc_body(%arg0: i32, %arg1: i32, %arg2: memref<16384xi32, #tpu.memory_space<hbm>>, %arg3: memref<1000x16384xf32, #tpu.memory_space<hbm>>, %arg4: memref<512xi32, #tpu.memory_space<vmem>>, %arg5: memref<64x512xf32, #tpu.memory_space<vmem>>, %arg6: memref<64x512xf32, #tpu.memory_space<vmem>>, %arg7: memref<!tpu.dma_semaphore, #tpu.memory_space<semaphore_mem>>, %arg8: memref<!tpu.dma_semaphore, #tpu.memory_space<semaphore_mem>>, %arg9: memref<!tpu.dma_semaphore, #tpu.memory_space<semaphore_mem>>) attributes {dimension_semantics = [#tpu.dimension_semantics<core_parallel>, #tpu.dimension_semantics<subcore_parallel>], iteration_bounds = array<i64: 2, 16>, scalar_prefetch = 0 : i64, scratch_operands = 6 : i64, tpu.core_type = #tpu.core_type<sc_vector_subcore>, window_params = [{transform_indices = #map}, {transform_indices = #map1}]} {
    %mul3A = arith.constant 2 : i32
    %mul3A_0 = arith.muli %arg1, %mul3A : i32
    %add3A = arith.addi %mul3A_0, %arg0 : i32
    %mul3A_1 = arith.constant 512 : i32
    %mul3A_2 = arith.muli %add3A, %mul3A_1 : i32
    %dma_start3A = tpu.memref_slice %arg2[%mul3A_2] : memref<16384xi32, #tpu.memory_space<hbm>> -> memref<512xi32, #tpu.memory_space<hbm>>
    %dma_start3A_3 = tpu.memref_slice %arg2[%mul3A_2] : memref<16384xi32, #tpu.memory_space<hbm>> -> memref<512xi32, #tpu.memory_space<hbm>>
    tpu.enqueue_dma source(%dma_start3A_3 : memref<512xi32, #tpu.memory_space<hbm>>) target(%arg4 : memref<512xi32, #tpu.memory_space<vmem>>) target_semaphore(%arg9 : memref<!tpu.dma_semaphore, #tpu.memory_space<semaphore_mem>>)
    %broadcast_in_dim3A = arith.constant 0.000000e+00 : f32
    %broadcast_in_dim3A_4 = vector.broadcast %broadcast_in_dim3A : f32 to vector<16xf32>
    %broadcast_in_dim3A_5 = arith.constant 1.000000e+00 : f32
    %broadcast_in_dim3A_6 = vector.broadcast %broadcast_in_dim3A_5 : f32 to vector<16xf32>
    %iota3A = tpu.iota {dimensions = array<i32: 0>} : vector<16xi32>
    %scan3A = arith.constant 0 : i32
    %scan3A_7 = arith.constant 0 : i32
    %scan3A_8 = arith.constant 64 : i32
    %scan3A_9 = arith.addi %scan3A_7, %scan3A_8 : i32
    %scan3A_10 = arith.constant 1 : i32
    %scan3A_11 = scf.for %scan3A_100 = %scan3A_7 to %scan3A_9 step %scan3A_10 iter_args(%scan3A_101 = %scan3A) -> (i32)  : i32 {
      %scan3A_102 = arith.constant 0 : i32
      %scan3A_103 = arith.constant 0 : i32
      %scan3A_104 = arith.constant 8 : i32
      %scan3A_105 = arith.addi %scan3A_103, %scan3A_104 : i32
      %scan3A_106 = arith.constant 1 : i32
      %scan3A_107 = scf.for %scan3A_110 = %scan3A_103 to %scan3A_105 step %scan3A_106 iter_args(%scan3A_111 = %scan3A_102) -> (i32)  : i32 {
        %mul3A_112 = arith.constant 64 : i32
        %mul3A_113 = arith.muli %scan3A_110, %mul3A_112 : i32
        %add3A_114 = arith.constant 0 : i32
        %add3A_115 = arith.addi %mul3A_113, %add3A_114 : i32
        %swap3A = arith.index_cast %scan3A_100 : i32 to index
        %swap3A_116 = arith.index_cast %add3A_115 : i32 to index
        %swap3A_117 = tpu.vector_load %arg5[%swap3A, %swap3A_116] {strides = array<i32>} : memref<64x512xf32, #tpu.memory_space<vmem>>, vector<16xf32>,
        tpu.vector_store %arg5[%swap3A, %swap3A_116], %broadcast_in_dim3A_4 {strides = array<i32>} : memref<64x512xf32, #tpu.memory_space<vmem>>, vector<16xf32>,
        %mul3A_118 = arith.constant 64 : i32
        %mul3A_119 = arith.muli %scan3A_110, %mul3A_118 : i32
        %add3A_120 = arith.constant 16 : i32
        %add3A_121 = arith.addi %mul3A_119, %add3A_120 : i32
        %swap3A_122 = arith.index_cast %scan3A_100 : i32 to index
        %swap3A_123 = arith.index_cast %add3A_121 : i32 to index
        %swap3A_124 = tpu.vector_load %arg5[%swap3A_122, %swap3A_123] {strides = array<i32>} : memref<64x512xf32, #tpu.memory_space<vmem>>, vector<16xf32>,
        tpu.vector_store %arg5[%swap3A_122, %swap3A_123], %broadcast_in_dim3A_4 {strides = array<i32>} : memref<64x512xf32, #tpu.memory_space<vmem>>, vector<16xf32>,
        %mul3A_125 = arith.constant 64 : i32
        %mul3A_126 = arith.muli %scan3A_110, %mul3A_125 : i32
        %add3A_127 = arith.constant 32 : i32
        %add3A_128 = arith.addi %mul3A_126, %add3A_127 : i32
        %swap3A_129 = arith.index_cast %scan3A_100 : i32 to index
        %swap3A_130 = arith.index_cast %add3A_128 : i32 to index
        %swap3A_131 = tpu.vector_load %arg5[%swap3A_129, %swap3A_130] {strides = array<i32>} : memref<64x512xf32, #tpu.memory_space<vmem>>, vector<16xf32>,
        tpu.vector_store %arg5[%swap3A_129, %swap3A_130], %broadcast_in_dim3A_4 {strides = array<i32>} : memref<64x512xf32, #tpu.memory_space<vmem>>, vector<16xf32>,
        %mul3A_132 = arith.constant 64 : i32
        %mul3A_133 = arith.muli %scan3A_110, %mul3A_132 : i32
        %add3A_134 = arith.constant 48 : i32
        %add3A_135 = arith.addi %mul3A_133, %add3A_134 : i32
        %swap3A_136 = arith.index_cast %scan3A_100 : i32 to index
        %swap3A_137 = arith.index_cast %add3A_135 : i32 to index
        %swap3A_138 = tpu.vector_load %arg5[%swap3A_136, %swap3A_137] {strides = array<i32>} : memref<64x512xf32, #tpu.memory_space<vmem>>, vector<16xf32>,
        tpu.vector_store %arg5[%swap3A_136, %swap3A_137], %broadcast_in_dim3A_4 {strides = array<i32>} : memref<64x512xf32, #tpu.memory_space<vmem>>, vector<16xf32>,
        %scan3A_139 = arith.constant 0 : i32
        scf.yield %scan3A_139 : i32
      }
      %scan3A_108 = arith.constant 8 : i32
      %scan3A_109 = arith.constant 0 : i32
      scf.yield %scan3A_109 : i32
    }
    %scan3A_12 = arith.constant 64 : i32
    %dma_wait3A = tpu.memref_slice %arg2[%mul3A_2] : memref<16384xi32, #tpu.memory_space<hbm>> -> memref<512xi32, #tpu.memory_space<hbm>>
    %dma_wait3A_13 = tpu.memref_slice %arg2[%mul3A_2] : memref<16384xi32, #tpu.memory_space<hbm>> -> memref<512xi32, #tpu.memory_space<hbm>>
    tpu.wait_dma2 semaphore(%arg9 : memref<!tpu.dma_semaphore, #tpu.memory_space<semaphore_mem>>) src(%dma_wait3A_13 : memref<512xi32, #tpu.memory_space<hbm>>) dst(%arg4 : memref<512xi32, #tpu.memory_space<vmem>>)
    %scan3A_14 = arith.constant 0 : i32
    %scan3A_15 = arith.constant 0 : i32
    %scan3A_16 = arith.constant 32 : i32
    %scan3A_17 = arith.addi %scan3A_15, %scan3A_16 : i32
    %scan3A_18 = arith.constant 1 : i32
    %scan3A_19 = scf.for %scan3A_100 = %scan3A_15 to %scan3A_17 step %scan3A_18 iter_args(%scan3A_101 = %scan3A_14) -> (i32)  : i32 {
      %mul3A_102 = arith.constant 16 : i32
      %mul3A_103 = arith.muli %scan3A_100, %mul3A_102 : i32
      %get3A = arith.index_cast %mul3A_103 : i32 to index
      %get3A_104 = tpu.vector_load %arg4[%get3A] {strides = array<i32>} : memref<512xi32, #tpu.memory_space<vmem>>, vector<16xi32>,
      %add3A_105 = vector.broadcast %mul3A_103 : i32 to vector<16xi32>
      %add3A_106 = arith.addi %iota3A, %add3A_105 : vector<16xi32>
      %sub3A = arith.constant 0 : i32
      %sub3A_107 = vector.broadcast %sub3A : i32 to vector<16xi32>
      %sub3A_108 = arith.subi %get3A_104, %sub3A_107 : vector<16xi32>
      %add3A_109 = arith.constant 128 : i32
      %add3A_110 = vector.broadcast %add3A_109 : i32 to vector<16xi32>
      %add3A_111 = arith.addi %sub3A_108, %add3A_110 : vector<16xi32>
      %bitcast3A = vector.bitcast %add3A_111 : vector<16xi32> to vector<16xi32>
      %lt3A = arith.constant 64 : i32
      %lt3A_112 = vector.broadcast %lt3A : i32 to vector<16xi32>
      %lt3A_113 = arith.cmpi ult, %bitcast3A, %lt3A_112 : vector<16xi32>
      tpu.vector_store_idx %arg5[%add3A_111, %add3A_106], %broadcast_in_dim3A_4 masked %lt3A_113 : memref<64x512xf32, #tpu.memory_space<vmem>>[vector<16xi32>, vector<16xi32>], vector<16xf32>, vector<16xi1>
      %bitcast3A_114 = vector.bitcast %sub3A_108 : vector<16xi32> to vector<16xi32>
      %lt3A_115 = arith.constant 64 : i32
      %lt3A_116 = vector.broadcast %lt3A_115 : i32 to vector<16xi32>
      %lt3A_117 = arith.cmpi ult, %bitcast3A_114, %lt3A_116 : vector<16xi32>
      tpu.vector_store_idx %arg5[%sub3A_108, %add3A_106], %broadcast_in_dim3A_6 masked %lt3A_117 : memref<64x512xf32, #tpu.memory_space<vmem>>[vector<16xi32>, vector<16xi32>], vector<16xf32>, vector<16xi1>
      %scan3A_118 = arith.constant 0 : i32
      scf.yield %scan3A_118 : i32
    }
    %scan3A_20 = arith.constant 32 : i32
    %dma_start3A_21 = arith.constant 0 : i32
    %dma_start3A_22 = tpu.memref_slice %arg3[%dma_start3A_21, %mul3A_2] : memref<1000x16384xf32, #tpu.memory_space<hbm>> -> memref<64x512xf32, #tpu.memory_space<hbm>>
    %dma_start3A_23 = arith.constant 0 : i32
    %dma_start3A_24 = tpu.memref_slice %arg3[%dma_start3A_23, %mul3A_2] : memref<1000x16384xf32, #tpu.memory_space<hbm>> -> memref<64x512xf32, #tpu.memory_space<hbm>>
    tpu.enqueue_dma source(%arg5 : memref<64x512xf32, #tpu.memory_space<vmem>>) target(%dma_start3A_24 : memref<64x512xf32, #tpu.memory_space<hbm>>) target_semaphore(%arg7 : memref<!tpu.dma_semaphore, #tpu.memory_space<semaphore_mem>>)
    %scan3A_25 = arith.constant 0 : i32
    %scan3A_26 = arith.constant 0 : i32
    %scan3A_27 = arith.constant 64 : i32
    %scan3A_28 = arith.addi %scan3A_26, %scan3A_27 : i32
    %scan3A_29 = arith.constant 1 : i32
    %scan3A_30 = scf.for %scan3A_100 = %scan3A_26 to %scan3A_28 step %scan3A_29 iter_args(%scan3A_101 = %scan3A_25) -> (i32)  : i32 {
      %scan3A_102 = arith.constant 0 : i32
      %scan3A_103 = arith.constant 0 : i32
      %scan3A_104 = arith.constant 8 : i32
      %scan3A_105 = arith.addi %scan3A_103, %scan3A_104 : i32
      %scan3A_106 = arith.constant 1 : i32
      %scan3A_107 = scf.for %scan3A_110 = %scan3A_103 to %scan3A_105 step %scan3A_106 iter_args(%scan3A_111 = %scan3A_102) -> (i32)  : i32 {
        %mul3A_112 = arith.constant 64 : i32
        %mul3A_113 = arith.muli %scan3A_110, %mul3A_112 : i32
        %add3A_114 = arith.constant 0 : i32
        %add3A_115 = arith.addi %mul3A_113, %add3A_114 : i32
        %swap3A = arith.index_cast %scan3A_100 : i32 to index
        %swap3A_116 = arith.index_cast %add3A_115 : i32 to index
        %swap3A_117 = tpu.vector_load %arg6[%swap3A, %swap3A_116] {strides = array<i32>} : memref<64x512xf32, #tpu.memory_space<vmem>>, vector<16xf32>,
        tpu.vector_store %arg6[%swap3A, %swap3A_116], %broadcast_in_dim3A_4 {strides = array<i32>} : memref<64x512xf32, #tpu.memory_space<vmem>>, vector<16xf32>,
        %mul3A_118 = arith.constant 64 : i32
        %mul3A_119 = arith.muli %scan3A_110, %mul3A_118 : i32
        %add3A_120 = arith.constant 16 : i32
        %add3A_121 = arith.addi %mul3A_119, %add3A_120 : i32
        %swap3A_122 = arith.index_cast %scan3A_100 : i32 to index
        %swap3A_123 = arith.index_cast %add3A_121 : i32 to index
        %swap3A_124 = tpu.vector_load %arg6[%swap3A_122, %swap3A_123] {strides = array<i32>} : memref<64x512xf32, #tpu.memory_space<vmem>>, vector<16xf32>,
        tpu.vector_store %arg6[%swap3A_122, %swap3A_123], %broadcast_in_dim3A_4 {strides = array<i32>} : memref<64x512xf32, #tpu.memory_space<vmem>>, vector<16xf32>,
        %mul3A_125 = arith.constant 64 : i32
        %mul3A_126 = arith.muli %scan3A_110, %mul3A_125 : i32
        %add3A_127 = arith.constant 32 : i32
        %add3A_128 = arith.addi %mul3A_126, %add3A_127 : i32
        %swap3A_129 = arith.index_cast %scan3A_100 : i32 to index
        %swap3A_130 = arith.index_cast %add3A_128 : i32 to index
        %swap3A_131 = tpu.vector_load %arg6[%swap3A_129, %swap3A_130] {strides = array<i32>} : memref<64x512xf32, #tpu.memory_space<vmem>>, vector<16xf32>,
        tpu.vector_store %arg6[%swap3A_129, %swap3A_130], %broadcast_in_dim3A_4 {strides = array<i32>} : memref<64x512xf32, #tpu.memory_space<vmem>>, vector<16xf32>,
        %mul3A_132 = arith.constant 64 : i32
        %mul3A_133 = arith.muli %scan3A_110, %mul3A_132 : i32
        %add3A_134 = arith.constant 48 : i32
        %add3A_135 = arith.addi %mul3A_133, %add3A_134 : i32
        %swap3A_136 = arith.index_cast %scan3A_100 : i32 to index
        %swap3A_137 = arith.index_cast %add3A_135 : i32 to index
        %swap3A_138 = tpu.vector_load %arg6[%swap3A_136, %swap3A_137] {strides = array<i32>} : memref<64x512xf32, #tpu.memory_space<vmem>>, vector<16xf32>,
        tpu.vector_store %arg6[%swap3A_136, %swap3A_137], %broadcast_in_dim3A_4 {strides = array<i32>} : memref<64x512xf32, #tpu.memory_space<vmem>>, vector<16xf32>,
        %scan3A_139 = arith.constant 0 : i32
        scf.yield %scan3A_139 : i32
      }
      %scan3A_108 = arith.constant 8 : i32
      %scan3A_109 = arith.constant 0 : i32
      scf.yield %scan3A_109 : i32
    }
    %scan3A_31 = arith.constant 64 : i32
    %scan3A_32 = arith.constant 0 : i32
    %scan3A_33 = arith.constant 0 : i32
    %scan3A_34 = arith.constant 32 : i32
    %scan3A_35 = arith.addi %scan3A_33, %scan3A_34 : i32
    %scan3A_36 = arith.constant 1 : i32
    %scan3A_37 = scf.for %scan3A_100 = %scan3A_33 to %scan3A_35 step %scan3A_36 iter_args(%scan3A_101 = %scan3A_32) -> (i32)  : i32 {
      %mul3A_102 = arith.constant 16 : i32
      %mul3A_103 = arith.muli %scan3A_100, %mul3A_102 : i32
      %get3A = arith.index_cast %mul3A_103 : i32 to index
      %get3A_104 = tpu.vector_load %arg4[%get3A] {strides = array<i32>} : memref<512xi32, #tpu.memory_space<vmem>>, vector<16xi32>,
      %add3A_105 = vector.broadcast %mul3A_103 : i32 to vector<16xi32>
      %add3A_106 = arith.addi %iota3A, %add3A_105 : vector<16xi32>
      %sub3A = arith.constant 64 : i32
      %sub3A_107 = vector.broadcast %sub3A : i32 to vector<16xi32>
      %sub3A_108 = arith.subi %get3A_104, %sub3A_107 : vector<16xi32>
      %add3A_109 = arith.constant 128 : i32
      %add3A_110 = vector.broadcast %add3A_109 : i32 to vector<16xi32>
      %add3A_111 = arith.addi %sub3A_108, %add3A_110 : vector<16xi32>
      %bitcast3A = vector.bitcast %add3A_111 : vector<16xi32> to vector<16xi32>
      %lt3A = arith.constant 64 : i32
      %lt3A_112 = vector.broadcast %lt3A : i32 to vector<16xi32>
      %lt3A_113 = arith.cmpi ult, %bitcast3A, %lt3A_112 : vector<16xi32>
      tpu.vector_store_idx %arg6[%add3A_111, %add3A_106], %broadcast_in_dim3A_4 masked %lt3A_113 : memref<64x512xf32, #tpu.memory_space<vmem>>[vector<16xi32>, vector<16xi32>], vector<16xf32>, vector<16xi1>
      %bitcast3A_114 = vector.bitcast %sub3A_108 : vector<16xi32> to vector<16xi32>
      %lt3A_115 = arith.constant 64 : i32
      %lt3A_116 = vector.broadcast %lt3A_115 : i32 to vector<16xi32>
      %lt3A_117 = arith.cmpi ult, %bitcast3A_114, %lt3A_116 : vector<16xi32>
      tpu.vector_store_idx %arg6[%sub3A_108, %add3A_106], %broadcast_in_dim3A_6 masked %lt3A_117 : memref<64x512xf32, #tpu.memory_space<vmem>>[vector<16xi32>, vector<16xi32>], vector<16xf32>, vector<16xi1>
      %scan3A_118 = arith.constant 0 : i32
      scf.yield %scan3A_118 : i32
    }
    %scan3A_38 = arith.constant 32 : i32
    %dma_start3A_39 = arith.constant 64 : i32
    %dma_start3A_40 = tpu.memref_slice %arg3[%dma_start3A_39, %mul3A_2] : memref<1000x16384xf32, #tpu.memory_space<hbm>> -> memref<64x512xf32, #tpu.memory_space<hbm>>
    %dma_start3A_41 = arith.constant 64 : i32
    %dma_start3A_42 = tpu.memref_slice %arg3[%dma_start3A_41, %mul3A_2] : memref<1000x16384xf32, #tpu.memory_space<hbm>> -> memref<64x512xf32, #tpu.memory_space<hbm>>
    tpu.enqueue_dma source(%arg6 : memref<64x512xf32, #tpu.memory_space<vmem>>) target(%dma_start3A_42 : memref<64x512xf32, #tpu.memory_space<hbm>>) target_semaphore(%arg8 : memref<!tpu.dma_semaphore, #tpu.memory_space<semaphore_mem>>)
    %scan3A_43 = arith.constant 0 : i32
    %scan3A_44 = arith.constant 1 : i32
    %scan3A_45 = arith.constant 6 : i32
    %scan3A_46 = arith.addi %scan3A_44, %scan3A_45 : i32
    %scan3A_47 = arith.constant 1 : i32
    %scan3A_48 = scf.for %scan3A_100 = %scan3A_44 to %scan3A_46 step %scan3A_47 iter_args(%scan3A_101 = %scan3A_43) -> (i32)  : i32 {
      %mul3A_102 = arith.constant 2 : i32
      %mul3A_103 = arith.muli %scan3A_100, %mul3A_102 : i32
      %add3A_104 = arith.constant 0 : i32
      %add3A_105 = arith.addi %mul3A_103, %add3A_104 : i32
      %mul3A_106 = arith.constant 64 : i32
      %mul3A_107 = arith.muli %add3A_105, %mul3A_106 : i32
      %dma_wait3A_108 = arith.constant 0 : i32
      %dma_wait3A_109 = tpu.memref_slice %arg3[%dma_wait3A_108, %mul3A_2] : memref<1000x16384xf32, #tpu.memory_space<hbm>> -> memref<64x512xf32, #tpu.memory_space<hbm>>
      %dma_wait3A_110 = arith.constant 0 : i32
      %dma_wait3A_111 = tpu.memref_slice %arg3[%dma_wait3A_110, %mul3A_2] : memref<1000x16384xf32, #tpu.memory_space<hbm>> -> memref<64x512xf32, #tpu.memory_space<hbm>>
      tpu.wait_dma2 semaphore(%arg7 : memref<!tpu.dma_semaphore, #tpu.memory_space<semaphore_mem>>) src(%arg5 : memref<64x512xf32, #tpu.memory_space<vmem>>) dst(%dma_wait3A_111 : memref<64x512xf32, #tpu.memory_space<hbm>>)
      %scan3A_112 = arith.constant 0 : i32
      %scan3A_113 = arith.constant 0 : i32
      %scan3A_114 = arith.constant 32 : i32
      %scan3A_115 = arith.addi %scan3A_113, %scan3A_114 : i32
      %scan3A_116 = arith.constant 1 : i32
      %scan3A_117 = scf.for %scan3A_141 = %scan3A_113 to %scan3A_115 step %scan3A_116 iter_args(%scan3A_142 = %scan3A_112) -> (i32)  : i32 {
        %mul3A_143 = arith.constant 16 : i32
        %mul3A_144 = arith.muli %scan3A_141, %mul3A_143 : i32
        %get3A = arith.index_cast %mul3A_144 : i32 to index
        %get3A_145 = tpu.vector_load %arg4[%get3A] {strides = array<i32>} : memref<512xi32, #tpu.memory_space<vmem>>, vector<16xi32>,
        %add3A_146 = vector.broadcast %mul3A_144 : i32 to vector<16xi32>
        %add3A_147 = arith.addi %iota3A, %add3A_146 : vector<16xi32>
        %sub3A = vector.broadcast %mul3A_107 : i32 to vector<16xi32>
        %sub3A_148 = arith.subi %get3A_145, %sub3A : vector<16xi32>
        %add3A_149 = arith.constant 128 : i32
        %add3A_150 = vector.broadcast %add3A_149 : i32 to vector<16xi32>
        %add3A_151 = arith.addi %sub3A_148, %add3A_150 : vector<16xi32>
        %bitcast3A = vector.bitcast %add3A_151 : vector<16xi32> to vector<16xi32>
        %lt3A = arith.constant 64 : i32
        %lt3A_152 = vector.broadcast %lt3A : i32 to vector<16xi32>
        %lt3A_153 = arith.cmpi ult, %bitcast3A, %lt3A_152 : vector<16xi32>
        tpu.vector_store_idx %arg5[%add3A_151, %add3A_147], %broadcast_in_dim3A_4 masked %lt3A_153 : memref<64x512xf32, #tpu.memory_space<vmem>>[vector<16xi32>, vector<16xi32>], vector<16xf32>, vector<16xi1>
        %bitcast3A_154 = vector.bitcast %sub3A_148 : vector<16xi32> to vector<16xi32>
        %lt3A_155 = arith.constant 64 : i32
        %lt3A_156 = vector.broadcast %lt3A_155 : i32 to vector<16xi32>
        %lt3A_157 = arith.cmpi ult, %bitcast3A_154, %lt3A_156 : vector<16xi32>
        tpu.vector_store_idx %arg5[%sub3A_148, %add3A_147], %broadcast_in_dim3A_6 masked %lt3A_157 : memref<64x512xf32, #tpu.memory_space<vmem>>[vector<16xi32>, vector<16xi32>], vector<16xf32>, vector<16xi1>
        %scan3A_158 = arith.constant 0 : i32
        scf.yield %scan3A_158 : i32
      }
      %scan3A_118 = arith.constant 32 : i32
      %dma_start3A_119 = tpu.memref_slice %arg3[%mul3A_107, %mul3A_2] : memref<1000x16384xf32, #tpu.memory_space<hbm>> -> memref<64x512xf32, #tpu.memory_space<hbm>>
      %dma_start3A_120 = tpu.memref_slice %arg3[%mul3A_107, %mul3A_2] : memref<1000x16384xf32, #tpu.memory_space<hbm>> -> memref<64x512xf32, #tpu.memory_space<hbm>>
      tpu.enqueue_dma source(%arg5 : memref<64x512xf32, #tpu.memory_space<vmem>>) target(%dma_start3A_120 : memref<64x512xf32, #tpu.memory_space<hbm>>) target_semaphore(%arg7 : memref<!tpu.dma_semaphore, #tpu.memory_space<semaphore_mem>>)
      %mul3A_121 = arith.constant 2 : i32
      %mul3A_122 = arith.muli %scan3A_100, %mul3A_121 : i32
      %add3A_123 = arith.constant 1 : i32
      %add3A_124 = arith.addi %mul3A_122, %add3A_123 : i32
      %mul3A_125 = arith.constant 64 : i32
      %mul3A_126 = arith.muli %add3A_124, %mul3A_125 : i32
      %dma_wait3A_127 = arith.constant 0 : i32
      %dma_wait3A_128 = tpu.memref_slice %arg3[%dma_wait3A_127, %mul3A_2] : memref<1000x16384xf32, #tpu.memory_space<hbm>> -> memref<64x512xf32, #tpu.memory_space<hbm>>
      %dma_wait3A_129 = arith.constant 0 : i32
      %dma_wait3A_130 = tpu.memref_slice %arg3[%dma_wait3A_129, %mul3A_2] : memref<1000x16384xf32, #tpu.memory_space<hbm>> -> memref<64x512xf32, #tpu.memory_space<hbm>>
      tpu.wait_dma2 semaphore(%arg8 : memref<!tpu.dma_semaphore, #tpu.memory_space<semaphore_mem>>) src(%arg6 : memref<64x512xf32, #tpu.memory_space<vmem>>) dst(%dma_wait3A_130 : memref<64x512xf32, #tpu.memory_space<hbm>>)
      %scan3A_131 = arith.constant 0 : i32
      %scan3A_132 = arith.constant 0 : i32
      %scan3A_133 = arith.constant 32 : i32
      %scan3A_134 = arith.addi %scan3A_132, %scan3A_133 : i32
      %scan3A_135 = arith.constant 1 : i32
      %scan3A_136 = scf.for %scan3A_141 = %scan3A_132 to %scan3A_134 step %scan3A_135 iter_args(%scan3A_142 = %scan3A_131) -> (i32)  : i32 {
        %mul3A_143 = arith.constant 16 : i32
        %mul3A_144 = arith.muli %scan3A_141, %mul3A_143 : i32
        %get3A = arith.index_cast %mul3A_144 : i32 to index
        %get3A_145 = tpu.vector_load %arg4[%get3A] {strides = array<i32>} : memref<512xi32, #tpu.memory_space<vmem>>, vector<16xi32>,
        %add3A_146 = vector.broadcast %mul3A_144 : i32 to vector<16xi32>
        %add3A_147 = arith.addi %iota3A, %add3A_146 : vector<16xi32>
        %sub3A = vector.broadcast %mul3A_126 : i32 to vector<16xi32>
        %sub3A_148 = arith.subi %get3A_145, %sub3A : vector<16xi32>
        %add3A_149 = arith.constant 128 : i32
        %add3A_150 = vector.broadcast %add3A_149 : i32 to vector<16xi32>
        %add3A_151 = arith.addi %sub3A_148, %add3A_150 : vector<16xi32>
        %bitcast3A = vector.bitcast %add3A_151 : vector<16xi32> to vector<16xi32>
        %lt3A = arith.constant 64 : i32
        %lt3A_152 = vector.broadcast %lt3A : i32 to vector<16xi32>
        %lt3A_153 = arith.cmpi ult, %bitcast3A, %lt3A_152 : vector<16xi32>
        tpu.vector_store_idx %arg6[%add3A_151, %add3A_147], %broadcast_in_dim3A_4 masked %lt3A_153 : memref<64x512xf32, #tpu.memory_space<vmem>>[vector<16xi32>, vector<16xi32>], vector<16xf32>, vector<16xi1>
        %bitcast3A_154 = vector.bitcast %sub3A_148 : vector<16xi32> to vector<16xi32>
        %lt3A_155 = arith.constant 64 : i32
        %lt3A_156 = vector.broadcast %lt3A_155 : i32 to vector<16xi32>
        %lt3A_157 = arith.cmpi ult, %bitcast3A_154, %lt3A_156 : vector<16xi32>
        tpu.vector_store_idx %arg6[%sub3A_148, %add3A_147], %broadcast_in_dim3A_6 masked %lt3A_157 : memref<64x512xf32, #tpu.memory_space<vmem>>[vector<16xi32>, vector<16xi32>], vector<16xf32>, vector<16xi1>
        %scan3A_158 = arith.constant 0 : i32
        scf.yield %scan3A_158 : i32
      }
      %scan3A_137 = arith.constant 32 : i32
      %dma_start3A_138 = tpu.memref_slice %arg3[%mul3A_126, %mul3A_2] : memref<1000x16384xf32, #tpu.memory_space<hbm>> -> memref<64x512xf32, #tpu.memory_space<hbm>>
      %dma_start3A_139 = tpu.memref_slice %arg3[%mul3A_126, %mul3A_2] : memref<1000x16384xf32, #tpu.memory_space<hbm>> -> memref<64x512xf32, #tpu.memory_space<hbm>>
      tpu.enqueue_dma source(%arg6 : memref<64x512xf32, #tpu.memory_space<vmem>>) target(%dma_start3A_139 : memref<64x512xf32, #tpu.memory_space<hbm>>) target_semaphore(%arg8 : memref<!tpu.dma_semaphore, #tpu.memory_space<semaphore_mem>>)
      %scan3A_140 = arith.constant 0 : i32
      scf.yield %scan3A_140 : i32
    }
    %scan3A_49 = arith.constant 6 : i32
    %dma_wait3A_50 = arith.constant 0 : i32
    %dma_wait3A_51 = tpu.memref_slice %arg3[%dma_wait3A_50, %mul3A_2] : memref<1000x16384xf32, #tpu.memory_space<hbm>> -> memref<64x512xf32, #tpu.memory_space<hbm>>
    %dma_wait3A_52 = arith.constant 0 : i32
    %dma_wait3A_53 = tpu.memref_slice %arg3[%dma_wait3A_52, %mul3A_2] : memref<1000x16384xf32, #tpu.memory_space<hbm>> -> memref<64x512xf32, #tpu.memory_space<hbm>>
    tpu.wait_dma2 semaphore(%arg7 : memref<!tpu.dma_semaphore, #tpu.memory_space<semaphore_mem>>) src(%arg5 : memref<64x512xf32, #tpu.memory_space<vmem>>) dst(%dma_wait3A_53 : memref<64x512xf32, #tpu.memory_space<hbm>>)
    %scan3A_54 = arith.constant 0 : i32
    %scan3A_55 = arith.constant 0 : i32
    %scan3A_56 = arith.constant 32 : i32
    %scan3A_57 = arith.addi %scan3A_55, %scan3A_56 : i32
    %scan3A_58 = arith.constant 1 : i32
    %scan3A_59 = scf.for %scan3A_100 = %scan3A_55 to %scan3A_57 step %scan3A_58 iter_args(%scan3A_101 = %scan3A_54) -> (i32)  : i32 {
      %mul3A_102 = arith.constant 16 : i32
      %mul3A_103 = arith.muli %scan3A_100, %mul3A_102 : i32
      %get3A = arith.index_cast %mul3A_103 : i32 to index
      %get3A_104 = tpu.vector_load %arg4[%get3A] {strides = array<i32>} : memref<512xi32, #tpu.memory_space<vmem>>, vector<16xi32>,
      %add3A_105 = vector.broadcast %mul3A_103 : i32 to vector<16xi32>
      %add3A_106 = arith.addi %iota3A, %add3A_105 : vector<16xi32>
      %sub3A = arith.constant 896 : i32
      %sub3A_107 = vector.broadcast %sub3A : i32 to vector<16xi32>
      %sub3A_108 = arith.subi %get3A_104, %sub3A_107 : vector<16xi32>
      %add3A_109 = arith.constant 128 : i32
      %add3A_110 = vector.broadcast %add3A_109 : i32 to vector<16xi32>
      %add3A_111 = arith.addi %sub3A_108, %add3A_110 : vector<16xi32>
      %bitcast3A = vector.bitcast %add3A_111 : vector<16xi32> to vector<16xi32>
      %lt3A = arith.constant 64 : i32
      %lt3A_112 = vector.broadcast %lt3A : i32 to vector<16xi32>
      %lt3A_113 = arith.cmpi ult, %bitcast3A, %lt3A_112 : vector<16xi32>
      tpu.vector_store_idx %arg5[%add3A_111, %add3A_106], %broadcast_in_dim3A_4 masked %lt3A_113 : memref<64x512xf32, #tpu.memory_space<vmem>>[vector<16xi32>, vector<16xi32>], vector<16xf32>, vector<16xi1>
      %bitcast3A_114 = vector.bitcast %sub3A_108 : vector<16xi32> to vector<16xi32>
      %lt3A_115 = arith.constant 64 : i32
      %lt3A_116 = vector.broadcast %lt3A_115 : i32 to vector<16xi32>
      %lt3A_117 = arith.cmpi ult, %bitcast3A_114, %lt3A_116 : vector<16xi32>
      tpu.vector_store_idx %arg5[%sub3A_108, %add3A_106], %broadcast_in_dim3A_6 masked %lt3A_117 : memref<64x512xf32, #tpu.memory_space<vmem>>[vector<16xi32>, vector<16xi32>], vector<16xf32>, vector<16xi1>
      %scan3A_118 = arith.constant 0 : i32
      scf.yield %scan3A_118 : i32
    }
    %scan3A_60 = arith.constant 32 : i32
    %dma_start3A_61 = arith.constant 896 : i32
    %dma_start3A_62 = tpu.memref_slice %arg3[%dma_start3A_61, %mul3A_2] : memref<1000x16384xf32, #tpu.memory_space<hbm>> -> memref<64x512xf32, #tpu.memory_space<hbm>>
    %dma_start3A_63 = arith.constant 896 : i32
    %dma_start3A_64 = tpu.memref_slice %arg3[%dma_start3A_63, %mul3A_2] : memref<1000x16384xf32, #tpu.memory_space<hbm>> -> memref<64x512xf32, #tpu.memory_space<hbm>>
    tpu.enqueue_dma source(%arg5 : memref<64x512xf32, #tpu.memory_space<vmem>>) target(%dma_start3A_64 : memref<64x512xf32, #tpu.memory_space<hbm>>) target_semaphore(%arg7 : memref<!tpu.dma_semaphore, #tpu.memory_space<semaphore_mem>>)
    %dma_wait3A_65 = arith.constant 0 : i32
    %dma_wait3A_66 = tpu.memref_slice %arg3[%dma_wait3A_65, %mul3A_2] : memref<1000x16384xf32, #tpu.memory_space<hbm>> -> memref<64x512xf32, #tpu.memory_space<hbm>>
    %dma_wait3A_67 = arith.constant 0 : i32
    %dma_wait3A_68 = tpu.memref_slice %arg3[%dma_wait3A_67, %mul3A_2] : memref<1000x16384xf32, #tpu.memory_space<hbm>> -> memref<64x512xf32, #tpu.memory_space<hbm>>
    tpu.wait_dma2 semaphore(%arg8 : memref<!tpu.dma_semaphore, #tpu.memory_space<semaphore_mem>>) src(%arg6 : memref<64x512xf32, #tpu.memory_space<vmem>>) dst(%dma_wait3A_68 : memref<64x512xf32, #tpu.memory_space<hbm>>)
    %scan3A_69 = arith.constant 0 : i32
    %scan3A_70 = arith.constant 0 : i32
    %scan3A_71 = arith.constant 32 : i32
    %scan3A_72 = arith.addi %scan3A_70, %scan3A_71 : i32
    %scan3A_73 = arith.constant 1 : i32
    %scan3A_74 = scf.for %scan3A_100 = %scan3A_70 to %scan3A_72 step %scan3A_73 iter_args(%scan3A_101 = %scan3A_69) -> (i32)  : i32 {
      %mul3A_102 = arith.constant 16 : i32
      %mul3A_103 = arith.muli %scan3A_100, %mul3A_102 : i32
      %get3A = arith.index_cast %mul3A_103 : i32 to index
      %get3A_104 = tpu.vector_load %arg4[%get3A] {strides = array<i32>} : memref<512xi32, #tpu.memory_space<vmem>>, vector<16xi32>,
      %add3A_105 = vector.broadcast %mul3A_103 : i32 to vector<16xi32>
      %add3A_106 = arith.addi %iota3A, %add3A_105 : vector<16xi32>
      %sub3A = arith.constant 960 : i32
      %sub3A_107 = vector.broadcast %sub3A : i32 to vector<16xi32>
      %sub3A_108 = arith.subi %get3A_104, %sub3A_107 : vector<16xi32>
      %add3A_109 = arith.constant 128 : i32
      %add3A_110 = vector.broadcast %add3A_109 : i32 to vector<16xi32>
      %add3A_111 = arith.addi %sub3A_108, %add3A_110 : vector<16xi32>
      %bitcast3A = vector.bitcast %add3A_111 : vector<16xi32> to vector<16xi32>
      %lt3A = arith.constant 64 : i32
      %lt3A_112 = vector.broadcast %lt3A : i32 to vector<16xi32>
      %lt3A_113 = arith.cmpi ult, %bitcast3A, %lt3A_112 : vector<16xi32>
      tpu.vector_store_idx %arg6[%add3A_111, %add3A_106], %broadcast_in_dim3A_4 masked %lt3A_113 : memref<64x512xf32, #tpu.memory_space<vmem>>[vector<16xi32>, vector<16xi32>], vector<16xf32>, vector<16xi1>
      %bitcast3A_114 = vector.bitcast %sub3A_108 : vector<16xi32> to vector<16xi32>
      %lt3A_115 = arith.constant 40 : i32
      %lt3A_116 = vector.broadcast %lt3A_115 : i32 to vector<16xi32>
      %lt3A_117 = arith.cmpi ult, %bitcast3A_114, %lt3A_116 : vector<16xi32>
      tpu.vector_store_idx %arg6[%sub3A_108, %add3A_106], %broadcast_in_dim3A_6 masked %lt3A_117 : memref<64x512xf32, #tpu.memory_space<vmem>>[vector<16xi32>, vector<16xi32>], vector<16xf32>, vector<16xi1>
      %scan3A_118 = arith.constant 0 : i32
      scf.yield %scan3A_118 : i32
    }
    %scan3A_75 = arith.constant 32 : i32
    %dma_start3A_76 = arith.constant 0 : i32
    %dma_start3A_77 = arith.constant 0 : i32
    %dma_start3A_78 = tpu.memref_slice %arg6[%dma_start3A_76, %dma_start3A_77] : memref<64x512xf32, #tpu.memory_space<vmem>> -> memref<40x512xf32, #tpu.memory_space<vmem>>
    %dma_start3A_79 = arith.constant 960 : i32
    %dma_start3A_80 = tpu.memref_slice %arg3[%dma_start3A_79, %mul3A_2] : memref<1000x16384xf32, #tpu.memory_space<hbm>> -> memref<40x512xf32, #tpu.memory_space<hbm>>
    %dma_start3A_81 = arith.constant 960 : i32
    %dma_start3A_82 = tpu.memref_slice %arg3[%dma_start3A_81, %mul3A_2] : memref<1000x16384xf32, #tpu.memory_space<hbm>> -> memref<40x512xf32, #tpu.memory_space<hbm>>
    %dma_start3A_83 = arith.constant 0 : i32
    %dma_start3A_84 = arith.constant 0 : i32
    %dma_start3A_85 = tpu.memref_slice %arg6[%dma_start3A_83, %dma_start3A_84] : memref<64x512xf32, #tpu.memory_space<vmem>> -> memref<40x512xf32, #tpu.memory_space<vmem>>
    tpu.enqueue_dma source(%dma_start3A_85 : memref<40x512xf32, #tpu.memory_space<vmem>>) target(%dma_start3A_82 : memref<40x512xf32, #tpu.memory_space<hbm>>) target_semaphore(%arg8 : memref<!tpu.dma_semaphore, #tpu.memory_space<semaphore_mem>>)
    %dma_wait3A_86 = arith.constant 0 : i32
    %dma_wait3A_87 = tpu.memref_slice %arg3[%dma_wait3A_86, %mul3A_2] : memref<1000x16384xf32, #tpu.memory_space<hbm>> -> memref<64x512xf32, #tpu.memory_space<hbm>>
    %dma_wait3A_88 = arith.constant 0 : i32
    %dma_wait3A_89 = tpu.memref_slice %arg3[%dma_wait3A_88, %mul3A_2] : memref<1000x16384xf32, #tpu.memory_space<hbm>> -> memref<64x512xf32, #tpu.memory_space<hbm>>
    tpu.wait_dma2 semaphore(%arg7 : memref<!tpu.dma_semaphore, #tpu.memory_space<semaphore_mem>>) src(%arg5 : memref<64x512xf32, #tpu.memory_space<vmem>>) dst(%dma_wait3A_89 : memref<64x512xf32, #tpu.memory_space<hbm>>)
    %dma_wait3A_90 = arith.constant 0 : i32
    %dma_wait3A_91 = arith.constant 0 : i32
    %dma_wait3A_92 = tpu.memref_slice %arg6[%dma_wait3A_90, %dma_wait3A_91] : memref<64x512xf32, #tpu.memory_space<vmem>> -> memref<40x512xf32, #tpu.memory_space<vmem>>
    %dma_wait3A_93 = arith.constant 0 : i32
    %dma_wait3A_94 = tpu.memref_slice %arg3[%dma_wait3A_93, %mul3A_2] : memref<1000x16384xf32, #tpu.memory_space<hbm>> -> memref<40x512xf32, #tpu.memory_space<hbm>>
    %dma_wait3A_95 = arith.constant 0 : i32
    %dma_wait3A_96 = tpu.memref_slice %arg3[%dma_wait3A_95, %mul3A_2] : memref<1000x16384xf32, #tpu.memory_space<hbm>> -> memref<40x512xf32, #tpu.memory_space<hbm>>
    %dma_wait3A_97 = arith.constant 0 : i32
    %dma_wait3A_98 = arith.constant 0 : i32
    %dma_wait3A_99 = tpu.memref_slice %arg6[%dma_wait3A_97, %dma_wait3A_98] : memref<64x512xf32, #tpu.memory_space<vmem>> -> memref<40x512xf32, #tpu.memory_space<vmem>>
    tpu.wait_dma2 semaphore(%arg8 : memref<!tpu.dma_semaphore, #tpu.memory_space<semaphore_mem>>) src(%dma_wait3A_99 : memref<40x512xf32, #tpu.memory_space<vmem>>) dst(%dma_wait3A_96 : memref<40x512xf32, #tpu.memory_space<hbm>>)
    return
  }
}

</mosaic_0001>

<sc_bundles>
// kernel: kernel.3.cloned.1.call-start
scs
__scs_entry_jumppad:
0x0: {  	(pc) =	sbr.rel $0x88, $3  }
0x1: {  	(tag) =	ssettag $0x0;
	lr =	simm.s32 $0x1  }
0x2: {  	[smem:$0x3FA0] =	sst lr;
	_ =	strace $0xD0000000  }
0x3: {  	_ = 	snop  }
0x4: {  	_ = 	snop  }
0x5: {  	_ = 	snop  }
0x6: {  	_ = 	snop  }
0x7: {  	_ = 	snop  }
__scs_overlays_trampoline_lowered:
0x8: {  	[smem:$0x3FAF] =	sst s0  }
0x9: {  	[smem:$0x3FB0] =	sst s1  }
0xa: {  	[smem:$0x3FB1] =	sst s2  }
0xb: {  	[smem:$0x3FB2] =	sst s3  }
0xc: {  	[smem:$0x3FB3] =	sst s4  }
0xd: {  	[smem:$0x3FB4] =	sst s5  }
0xe: {  	[smem:$0x3FB5] =	sst s6  }
0xf: {  	[smem:$0x3FB6] =	sst s7  }
0x10: {  	[smem:$0x3FB7] =	sst s8  }
0x11: {  	[smem:$0x3FB8] =	sst s9;
	s0 =	simm.s32 @!p0 $0x0  }
0x12: {  	s1 =	sld [smem:$0x3F9E];
	s0 =	simm.s32 @p0 $0x1  }
0x13: {  	[smem:$0x3FB9] =	sst s0;
	s0 =	simm.s32 @!p1 $0x0  }
0x14: {  	s2 =	sld [smem:$0x3F9D];
	s0 =	simm.s32 @p1 $0x1  }
0x15: {  	[smem:$0x3FBA] =	sst s0;
	s0 =	simm.s32 @!p2 $0x0  }
0x16: {  	s3 =	sld [smem:$0x3FDB];
	s0 =	simm.s32 @p2 $0x1  }
0x17: {  	s4 =	simm.s32 $0x1BF5;
	[smem:$0x3FBC] =	sst s0  }
0x18: {  	s0 =	sld [smem:$0x3F9F];
	_ =	swait.ge [sflag:s4], $0x0  }
0x19: {  	s7 =	sld [smem:$0x3FA0]  }
0x1a: {  	s8 =	sadd.s32 $0xFFFFE003, lr  }
0x1b: {  	s9 =	sadd.s32 $0xFFFFFEF7, lr;
	s5 =	simm.s32 $0xFFFFFFFF;
	p2 =	slt.u32 s8, $0xFFFFF086  }
0x1c: {  	p1 =	slt.u32 s9, $0xF7A;
	s5 =	simm.s32 @!p2 $0x0  }
0x1d: {  	s5 =	simm.s32 @p1 $0x1;
	p0 =	seq.s32 s7, s2  }
0x1e: {  	s7 =	smul.u32 @!p0 $0xF7A, s2;
	p2 =	seq.s32 @!p0 s5, $0x0  }
0x1f: {  	s9 =	smul.u32 $0xF7A, s1;
	s8 =	simm.s32 @!p0 $0x1BF5;
	p2 =	por !p2, p0  }
0x20: {  	[sflag:s8] =	ssyncset.s32 @!p0 $0xFFFFF086;
	s6 =	sadd.s32 @!p0 s3, s7;
	s7 =	simm.s32 @!p0 $0x108  }
0x21: {  	s3 =	sadd.s32 s3, s9;
	s6 =	sadd.s32 @!p0 $0x88, s6;
	s7 =	simm.s32 @p2 $0x1082  }
0x22: {  	[simem:s7], [sflag:s8] =	dma.local @!p0 [hbm:s6], $0xF7A  }
0x23: {  	s9 =	sor.u32 $0xD0000000, s2;
	s6 =	simm.s32 $0x108;
	_ =	swait.ge @!p0 [sflag:s8], $0x0  }
0x24: {  	s3 =	sadd.s32 $0x88, s3;
	s6 =	simm.s32 @!p1 $0x1082;
	[sflag:s4] =	ssyncset.s32 $0xFFFFF086  }
0x25: {  	[simem:s6], [sflag:s4] =	dma.local [hbm:s3], $0xF7A  }
0x26: {  	[smem:$0x3FA0] =	sst s1;
	(tag) =	ssettag s2;
	_ =	strace s9  }
0x27: {  	s1 =	sld [smem:$0x3FB0]  }
0x28: {  	s2 =	sld [smem:$0x3FB1]  }
0x29: {  	s4 =	sld [smem:$0x3FB3]  }
0x2a: {  	p0 =	seq.s32 s5, $0x0;
	s5 =	sld [smem:$0x3FB4]  }
0x2b: {  	s6 =	sld [smem:$0x3FB5]  }
0x2c: {  	s7 =	sld [smem:$0x3FB6]  }
0x2d: {  	s3 =	simm.s32 $0x108;
	s8 =	sld [smem:$0x3FB7]  }
0x2e: {  	s3 =	simm.s32 @!p0 $0x1082;
	s9 =	sld [smem:$0x3FB8]  }
0x2f: {  	lr =	sadd.s32 s0, s3;
	s0 =	sld [smem:$0x3FAF]  }
0x30: {  	s3 =	sld [smem:$0x3FB2]  }
0x31: {  	[smem:$0x3FBB] =	sst s10  }
0x32: {  	s10 =	sld [smem:$0x3FB9];
	_ =	sdelay $0x3  }
0x33: {  	p0 =	seq.s32 s10, $0x1;
	s10 =	sld [smem:$0x3FBB];
	_ =	sdelay $0x3  }
0x34: {  	[smem:$0x3FBB] =	sst s10  }
0x35: {  	s10 =	sld [smem:$0x3FBA];
	_ =	sdelay $0x3  }
0x36: {  	p1 =	seq.s32 s10, $0x1;
	s10 =	sld [smem:$0x3FBB];
	_ =	sdelay $0x3  }
0x37: {  	[smem:$0x3FBB] =	sst s10  }
0x38: {  	s10 =	sld [smem:$0x3FBC]  }
0x39: {  	_ = 	snop;
	(pc) =	sbr.ind lr, $3  }
0x3a: {  	_ = 	snop  }
0x3b: {  	_ = 	snop  }
0x3c: {  	p2 =	seq.s32 s10, $0x1;
	s10 =	sld [smem:$0x3FBB]  }
0x3d: {  	_ =	shalt  }
0x3e: {  	_ =	shalt  }
0x3f: {  	_ =	shalt  }
0x40: {  	_ =	shalt  }
0x41: {  	_ =	shalt  }
0x42: {  	_ =	shalt  }
0x43: {  	_ =	shalt  }
0x44: {  	_ =	shalt  }
0x45: {  	_ =	shalt  }
0x46: {  	_ =	shalt  }
0x47: {  	_ =	shalt  }
0x48: {  	_ =	shalt  }
0x49: {  	_ =	shalt  }
0x4a: {  	_ =	shalt  }
0x4b: {  	_ =	shalt  }
0x4c: {  	_ =	shalt  }
0x4d: {  	_ =	shalt  }
0x4e: {  	_ =	shalt  }
0x4f: {  	_ =	shalt  }
0x50: {  	_ =	shalt  }
0x51: {  	_ =	shalt  }
0x52: {  	_ =	shalt  }
0x53: {  	_ =	shalt  }
0x54: {  	_ =	shalt  }
0x55: {  	_ =	shalt  }
0x56: {  	_ =	shalt  }
0x57: {  	_ =	shalt  }
0x58: {  	_ =	shalt  }
0x59: {  	_ =	shalt  }
0x5a: {  	_ =	shalt  }
0x5b: {  	_ =	shalt  }
0x5c: {  	_ =	shalt  }
0x5d: {  	_ =	shalt  }
0x5e: {  	_ =	shalt  }
0x5f: {  	_ =	shalt  }
0x60: {  	_ =	shalt  }
0x61: {  	_ =	shalt  }
0x62: {  	_ =	shalt  }
0x63: {  	_ =	shalt  }
0x64: {  	_ =	shalt  }
0x65: {  	_ =	shalt  }
0x66: {  	_ =	shalt  }
0x67: {  	_ =	shalt  }
0x68: {  	_ =	shalt  }
0x69: {  	_ =	shalt  }
0x6a: {  	_ =	shalt  }
0x6b: {  	_ =	shalt  }
0x6c: {  	_ =	shalt  }
0x6d: {  	_ =	shalt  }
0x6e: {  	_ =	shalt  }
0x6f: {  	_ =	shalt  }
0x70: {  	_ =	shalt  }
0x71: {  	_ =	shalt  }
0x72: {  	_ =	shalt  }
0x73: {  	_ =	shalt  }
0x74: {  	_ =	shalt  }
0x75: {  	_ =	shalt  }
0x76: {  	_ =	shalt  }
0x77: {  	_ =	shalt  }
0x78: {  	_ =	shalt  }
0x79: {  	_ =	shalt  }
0x7a: {  	_ =	shalt  }
0x7b: {  	_ =	shalt  }
0x7c: {  	_ =	shalt  }
0x7d: {  	_ =	shalt  }
0x7e: {  	_ =	shalt  }
0x7f: {  	_ =	shalt  }
0x80: {  	_ =	shalt  }
0x81: {  	_ =	shalt  }
0x82: {  	_ =	shalt  }
0x83: {  	_ =	shalt  }
0x84: {  	_ =	shalt  }
0x85: {  	_ =	shalt  }
0x86: {  	_ =	shalt  }
0x87: {  	_ =	shalt  }
.Lfunc_end0:
.L_simem_size_0:
called_computation_lowered:
.L_overlay_start_0:
0x88: {  	s2 =	sld [smem:$0x3FD9]  }
0x89: {  	s3 =	sld [smem:$0x3FFE];
	_ =	sdelay $0x1  }
0x8a: {  	s1 =	srdreg.scid  }
0x8b: {  	s0 =	sand.u32 $0x1, s1  }
0x8c: {  	s18 =	sshll.u32 s0, $0xA;
	s2 =	sadd.s32 s3, s2  }
0x8d: {  	s2 =	sadd.s32 s2, s18  }
0x8e: {  	[smem:$0x3FC7] =	sst s2  }
0x8f: {  	_ = 	snop  }
0x90: {  	s2 =	sld [smem:$0x3FC9]  }
0x91: {  	s19 =	sld [smem:$0x3FD0];
	(tm) =	ssettm $0x1  }
0x92: {  	s4 =	sld [smem:$0x3FFB];
	_ =	sdelay $0x3  }
0x93: {  	_ =	strace s4  }
0x94: {  	s4 =	sld [smem:$0x3FFC];
	_ =	sdelay $0x3  }
0x95: {  	_ =	strace s4  }
0x96: {  	s4 =	sld [smem:$0x3FFD];
	_ =	sdelay $0x3  }
0x97: {  	_ =	strace s4  }
0x98: {  	_ =	strace $0x8FFFFFFF  }
0x99: {  	s20 =	sld [smem:$0x3FDB];
	_ =	sdelay $0x1  }
0x9a: {  	s5 =	simm.s32 $_scs_section_size  }
0x9b: {  	s6 =	simm.s32 $_size__tile_overlayer_lowered;
	s7 =	simm.s32 $_tile_overlayer_lowered  }
0x9c: {  	s23 =	simm.s32 $0x1BFF;
	s22 =	sshll.u32 s7, $0x1;
	s4 =	sadd.s32 s5, s20  }
0x9d: {  	s8 =	simm.s32 $0x0;
	s21 =	sshll.u32 s6, $0x1;
	s6 =	sadd.s32 s22, s4  }
0x9e: {  	[timem:s8], [sflag:s23] =	dma.local [hbm:s6], s21  }
0x9f: {  	_ =	swait.ge [sflag:s23], s21  }
0xa0: {  	s5 =	ssub.s32 $0x0, s21;
	[sflag:s23] =	ssyncset.done $0x0  }
0xa1: {  	[sflag:s23] =	ssyncadd.s32 s5;
	_ =	sdelay $0x1  }
0xa2: {  	s24 =	simm.s32 $0x1B8B  }
0xa3: {  	_ =	swait.ge [sflag:s24], $0x1  }
0xa4: {  	[sflag:s24] =	ssyncset.done $0x0  }
0xa5: {  	s25 =	simm.s32 $0x1B8E;
	[sflag:s24] =	ssyncadd.s32 $0xFFFFFFFF  }
0xa6: {  	s26 =	simm.s32 $execute0_lowered;
	[smem:$0x3FD2] =	sst s25  }
0xa7: {  	s5 =	sshll.u32 s26, $0x1;
	_ =	strace $0x80000046;
	[dreg:$0x1] =	wrdreg $0xFFFFFFFF  }
0xa8: {  	s28 =	simm.s32 $_size_execute0_lowered;
	s4 =	sadd.s32 s4, s5;
	[dreg:$0x0] =	wrdreg $0x0  }
0xa9: {  	s5 =	sshll.u32 s28, $0x1;
	[dreg:$0x2] =	wrdreg s4  }
0xaa: {  	[dreg:$0x3] =	wrdreg s5  }
0xab: {  	[dreg:$0x4] =	wrdreg $0xC0  }
0xac: {  	_ =	task [dreg:s8], $0x5FFFF  }
0xad: {  	[dreg:$0x1] =	wrdreg $0xFFFFFFFF  }
0xae: {  	[dreg:$0x0] =	wrdreg $0x60  }
0xaf: {  	[dreg:$0x2] =	wrdreg s2  }
0xb0: {  	[dreg:$0x3] =	wrdreg s19  }
0xb1: {  	[dreg:$0x4] =	wrdreg $0x9  }
0xb2: {  	_ =	task.clear_ibuf [dreg:s8], $0x5FFFF;
	_ =	strace $0x90000046  }
0xb3: {  	s29 =	simm.s32 $0x9;
	_ =	strace $0x80000048  }
0xb4: {  	_ =	swait.ge [sflag:s29], $0x1  }
0xb5: {  	[sflag:s29] =	ssyncadd.s32 $0xFFFFFFFF  }
0xb6: {  	_ =	strace $0x90000048  }
0xb7: {  	_ =	sfence  }
0xb8: {  	s30 =	sld [smem:$0x0];
	_ =	sdelay $0x2  }
0xb9: {  	s31 =	sshll.u32 s1, $0xD;
	s1 =	sshrl.u32 s1, $0x2  }
0xba: {  	s3 =	sand.u32 $0x4000, s31;
	s1 =	sadd.s32 s1, s30  }
0xbb: {  	s0 =	sor.u32 s3, s0;
	s1 =	sshll.u32 s1, $0x11  }
0xbc: {  	s0 =	sor.u32 s1, s0  }
0xbd: {  	s0 =	sadd.s32 $0x8F2B, s0  }
0xbe: {  	[sflag:s0] =	ssyncadd.remote.s32 $0x1  }
0xbf: {  	_ =	sfence.sel $0xFFFF  }
0xc0: {  	[dreg:$0x0] =	wrdreg $0xFFFFFFFF;
	(pc) =	sbr.abs _section_cstart, $3  }
0xc1: {  	[dreg:$0x1] =	wrdreg $0xFFFFFFFF  }
0xc2: {  	_ =	task.clear_ibuf [dreg:s8], $0x2FFFF;
	_ =	strace $0x9FFFFFFF  }
0xc3: {  	(tm) =	ssettm $0x7FFFFFFF  }
tec
execute0_lowered:
.L_overlay_start_1:
0x0: {  	(tag) =	ssettag $0x1  }
0x1: {  	s3 =	rddreg [dreg:$0x0]  }
0x2: {  	s4 =	rddreg [dreg:$0x1];
	s2 =	srdreg.scid  }
0x3: {  	s0 =	rddreg [dreg:$0x2];
	s1 =	stileid.u32;
	s10 =	simm.s32 $0x200  }
0x4: {  	s11 =	simm.s32 $0x1000;
	s12 =	simm.s32 $0x20000;
	s13 =	simm.s32 $0x8200  }
0x5: {  	s14 =	simm.s32 $0x1;
	s15 =	simm.s32 $0x2;
	s16 =	simm.s32 $0x0  }
0x6: {  	s5 =	sand.u32 $0x1, s2;
	s2 =	simm.s32 $0x0;
	s6 =	sshll.u32 s1, $0xA  }
0x7: {  	s7 =	sshll.u32 s5, $0x9;
	[smem:$0x7FF] =	sst s2;
	s5 =	ssub.s32 $0x2, s5  }
0x8: {  	s6 =	sor.u32 s7, s6;
	_ =	strace $0x80000047;
	s31 =	sshrl.u32 s5, $0x1  }
0x9: {  	s8 =	sshrl.u32 s6, $0x3;
	s9 =	ssub.s32 s5, s31;
	s4 =	sadd.s32 s4, s6  }
0xa: {  	s3 =	sadd.s32 s3, s8;
	s5 =	sadd.s32 $0x20000, s4;
	s6 =	sadd.s32 $0x1C0000, s4  }
0xb: {  	v0 =	vimm.f32 $0.0e+00;
	v1 =	vlaneseq.u32;
	v2 =	vimm.f32 $1.000000000e+00;
	s7 =	sadd.s32 $0x1E0000, s4;
	s8 =	smax.u32 s9, $0x1;
	s9 =	simm.s32 $0x3  }
.LBB2_1:
0xc: {  	[tilespmem:s2], [sflag:$0x3] =	stream.linear.gather [hbm4b:s3+s2], $0x200, $0x38;
	[tilespmem:$0x10200] =	vst v63  }
0xd: {  	s17 =	sand.u32 $0x7000, s2;
	s18 =	sand.u32 $0x380, s2  }
0xe: {  	s17 =	sor.u32 s18, s17  }
0xf: {  	[tilespmem:s17+$0xE70] =	vst v0  }
0x10: {  	[tilespmem:s17+$0x200] =	vst v0  }
0x11: {  	[tilespmem:s17+$0x210] =	vst v0  }
0x12: {  	[tilespmem:s17+$0x220] =	vst v0  }
0x13: {  	[tilespmem:s17+$0x230] =	vst v0  }
0x14: {  	[tilespmem:s17+$0x240] =	vst v0  }
0x15: {  	[tilespmem:s17+$0x250] =	vst v0  }
0x16: {  	[tilespmem:s17+$0x260] =	vst v0  }
0x17: {  	[tilespmem:s17+$0x270] =	vst v0  }
0x18: {  	[tilespmem:s17+$0x600] =	vst v0  }
0x19: {  	[tilespmem:s17+$0x610] =	vst v0  }
0x1a: {  	[tilespmem:s17+$0x620] =	vst v0  }
0x1b: {  	[tilespmem:s17+$0x630] =	vst v0  }
0x1c: {  	[tilespmem:s17+$0x640] =	vst v0  }
0x1d: {  	[tilespmem:s17+$0x650] =	vst v0  }
0x1e: {  	[tilespmem:s17+$0x660] =	vst v0  }
0x1f: {  	[tilespmem:s17+$0x670] =	vst v0  }
0x20: {  	[tilespmem:s17+$0xA00] =	vst v0  }
0x21: {  	[tilespmem:s17+$0xA10] =	vst v0  }
0x22: {  	[tilespmem:s17+$0xA20] =	vst v0  }
0x23: {  	[tilespmem:s17+$0xA30] =	vst v0  }
0x24: {  	[tilespmem:s17+$0xA40] =	vst v0  }
0x25: {  	[tilespmem:s17+$0xA50] =	vst v0  }
0x26: {  	[tilespmem:s17+$0xA60] =	vst v0  }
0x27: {  	[tilespmem:s17+$0xA70] =	vst v0  }
0x28: {  	[tilespmem:s17+$0xE00] =	vst v0  }
0x29: {  	[tilespmem:s17+$0xE10] =	vst v0  }
0x2a: {  	[tilespmem:s17+$0xE20] =	vst v0  }
0x2b: {  	[tilespmem:s17+$0xE30] =	vst v0  }
0x2c: {  	s19 =	simm.s32 $0x200;
	s18 =	simm.s32 $0x80;
	[tilespmem:s17+$0xE40] =	vst v0  }
0x2d: {  	s20 =	sand.u32 $0x7000, s19;
	s19 =	simm.s32 $0x400;
	s21 =	sand.u32 $0x380, s18;
	[tilespmem:s17+$0xE50] =	vst v0  }
.LBB2_2:
0x2e: {  	p0 =	sne.s32 s19, $0x7E00;
	[tilespmem:s17+$0xE60] =	vst v0;
	s17 =	sor.u32 s21, s20  }
0x2f: {  	[tilespmem:s17+$0xE70] =	vst v0  }
0x30: {  	[tilespmem:s17+$0x200] =	vst v0  }
0x31: {  	[tilespmem:s17+$0x210] =	vst v0  }
0x32: {  	[tilespmem:s17+$0x220] =	vst v0  }
0x33: {  	[tilespmem:s17+$0x230] =	vst v0  }
0x34: {  	[tilespmem:s17+$0x240] =	vst v0  }
0x35: {  	[tilespmem:s17+$0x250] =	vst v0  }
0x36: {  	[tilespmem:s17+$0x260] =	vst v0  }
0x37: {  	[tilespmem:s17+$0x270] =	vst v0  }
0x38: {  	[tilespmem:s17+$0x600] =	vst v0  }
0x39: {  	[tilespmem:s17+$0x610] =	vst v0  }
0x3a: {  	[tilespmem:s17+$0x620] =	vst v0  }
0x3b: {  	[tilespmem:s17+$0x630] =	vst v0  }
0x3c: {  	[tilespmem:s17+$0x640] =	vst v0  }
0x3d: {  	[tilespmem:s17+$0x650] =	vst v0  }
0x3e: {  	[tilespmem:s17+$0x660] =	vst v0  }
0x3f: {  	[tilespmem:s17+$0x670] =	vst v0  }
0x40: {  	[tilespmem:s17+$0xA00] =	vst v0  }
0x41: {  	[tilespmem:s17+$0xA10] =	vst v0  }
0x42: {  	[tilespmem:s17+$0xA20] =	vst v0  }
0x43: {  	[tilespmem:s17+$0xA30] =	vst v0  }
0x44: {  	[tilespmem:s17+$0xA40] =	vst v0  }
0x45: {  	[tilespmem:s17+$0xA50] =	vst v0  }
0x46: {  	[tilespmem:s17+$0xA60] =	vst v0  }
0x47: {  	[tilespmem:s17+$0xA70] =	vst v0  }
0x48: {  	[tilespmem:s17+$0xE00] =	vst v0  }
.Ltmp0:
0x49: {  	[tilespmem:s17+$0xE10] =	vst v0;
	(pc) =	sbr.rel @p0 .LBB2_2-.Ltmp0, $4  }
0x4a: {  	[tilespmem:s17+$0xE20] =	vst v0  }
0x4b: {  	[tilespmem:s17+$0xE30] =	vst v0  }
0x4c: {  	s18 =	sadd.s32 $0x80, s18;
	[tilespmem:s17+$0xE40] =	vst v0  }
0x4d: {  	s20 =	sand.u32 $0x7000, s19;
	s19 =	sadd.s32 $0x200, s19;
	s21 =	sand.u32 $0x380, s18;
	[tilespmem:s17+$0xE50] =	vst v0  }
0x4e: {  	s18 =	sor.u32 s21, s20;
	[tilespmem:s17+$0xE60] =	vst v0  }
0x4f: {  	[tilespmem:s18+$0xE70] =	vst v0  }
0x50: {  	[tilespmem:s18+$0x200] =	vst v0  }
0x51: {  	[tilespmem:s18+$0x210] =	vst v0  }
0x52: {  	[tilespmem:s18+$0x220] =	vst v0  }
0x53: {  	[tilespmem:s18+$0x230] =	vst v0  }
0x54: {  	[tilespmem:s18+$0x240] =	vst v0  }
0x55: {  	[tilespmem:s18+$0x250] =	vst v0  }
0x56: {  	[tilespmem:s18+$0x260] =	vst v0  }
0x57: {  	[tilespmem:s18+$0x270] =	vst v0  }
0x58: {  	[tilespmem:s18+$0x600] =	vst v0  }
0x59: {  	[tilespmem:s18+$0x610] =	vst v0  }
0x5a: {  	[tilespmem:s18+$0x620] =	vst v0  }
0x5b: {  	[tilespmem:s18+$0x630] =	vst v0  }
0x5c: {  	[tilespmem:s18+$0x640] =	vst v0  }
0x5d: {  	[tilespmem:s18+$0x650] =	vst v0  }
0x5e: {  	[tilespmem:s18+$0x660] =	vst v0  }
0x5f: {  	[tilespmem:s18+$0x670] =	vst v0  }
0x60: {  	[tilespmem:s18+$0xA00] =	vst v0  }
0x61: {  	[tilespmem:s18+$0xA10] =	vst v0  }
0x62: {  	[tilespmem:s18+$0xA20] =	vst v0  }
0x63: {  	[tilespmem:s18+$0xA30] =	vst v0  }
0x64: {  	[tilespmem:s18+$0xA40] =	vst v0  }
0x65: {  	[tilespmem:s18+$0xA50] =	vst v0  }
0x66: {  	[tilespmem:s18+$0xA60] =	vst v0  }
0x67: {  	[tilespmem:s18+$0xA70] =	vst v0  }
0x68: {  	[tilespmem:s18+$0xE00] =	vst v0  }
0x69: {  	[tilespmem:s18+$0xE10] =	vst v0  }
0x6a: {  	[tilespmem:s18+$0xE20] =	vst v0  }
0x6b: {  	[tilespmem:s18+$0xE30] =	vst v0  }
0x6c: {  	[tilespmem:s18+$0xE40] =	vst v0  }
0x6d: {  	[tilespmem:s18+$0xE50] =	vst v0  }
0x6e: {  	[tilespmem:s18+$0xE60] =	vst v0  }
0x6f: {  	_ =	swait.ge [sflag:s9], $0x200  }
0x70: {  	[sflag:s9] =	ssyncset.done $0x0  }
0x71: {  	s17 =	simm.s32 $0x0;
	[sflag:s9] =	ssyncadd.s32 $0xFFFFFE00  }
0x72: {  	v3 =	vld [tilespmem:s17+$0x0]  }
0x73: {  	s19 =	simm.s32 $0x0;
	s18 =	simm.s32 $0x10  }
.LBB2_4:
0x74: {  	p0 =	sne.s32 s18, $0x1F0  }
0x75: {  	v4 =	vmov s17  }
0x76: {  	v5 =	vor.u32 s17, v1;
	s17 =	smov.u32 s18;
	v4 =	vshll.u32 v4, $0x3  }
0x77: {  	v6 =	vadd.s32 $0x80, v3;
	vm0 =	vlt.u32 v3, $0x40;
	v7 =	vshll.u32 v3, $0x9  }
0x78: {  	v4 =	vand.u32 $0xC00, v4;
	v8 =	vshll.u32 v6, $0x9;
	v7 =	vand.u32 $0xFFFFF000, v7  }
0x79: {  	v5 =	vand.u32 $0x7F, v5;
	v8 =	vand.u32 $0xFFFFF000, v8;
	v7 =	vor.u32 v7, v4  }
0x7a: {  	v3 =	vshll.u32 v3, $0x7;
	v4 =	vor.u32 v8, v4;
	v7 =	vor.u32 v5, v7  }
0x7b: {  	vm1 =	vlt.u32 v6, $0x40;
	v3 =	vand.u32 $0x380, v3;
	v4 =	vor.u32 v5, v4  }
0x7c: {  	v4 =	vor.u32 v3, v4;
	v3 =	vor.u32 v3, v7;
	_ =	sdelay $0x3  }
.Ltmp1:
0x7d: {  	(pc) =	sbr.rel @p0 .LBB2_4-.Ltmp1, $4  }
0x7e: {  	[tilespmem:v4+s10+$0x0] =	vst.idx.msk vm1, v0  }
0x7f: {  	s19 =	sadd.s32 $0x10, s19;
	[tilespmem:v3+s10+$0x0] =	vst.idx.msk vm0, v2  }
0x80: {  	v3 =	vld [tilespmem:s19+$0x0]  }
0x81: {  	s18 =	sadd.s32 $0x10, s18  }
0x82: {  	_ =	sdelay $0x1  }
0x83: {  	v4 =	vmov s17  }
0x84: {  	v5 =	vor.u32 s17, v1;
	v4 =	vshll.u32 v4, $0x3;
	v6 =	vadd.s32 $0x80, v3  }
0x85: {  	v5 =	vand.u32 $0x7F, v5;
	v7 =	vshll.u32 v3, $0x9;
	v8 =	vshll.u32 v6, $0x9  }
0x86: {  	v4 =	vand.u32 $0xC00, v4;
	v7 =	vand.u32 $0xFFFFF000, v7;
	v8 =	vand.u32 $0xFFFFF000, v8  }
0x87: {  	v62 =	vshll.u32 v3, $0x7;
	v7 =	vor.u32 v7, v4;
	v4 =	vor.u32 v8, v4  }
0x88: {  	vm0 =	vlt.u32 v6, $0x40;
	v63 =	vand.u32 $0x380, v62;
	v4 =	vor.u32 v5, v4  }
0x89: {  	vm1 =	vlt.u32 v3, $0x40;
	v3 =	vor.u32 v5, v7;
	v4 =	vor.u32 v63, v4  }
0x8a: {  	v3 =	vor.u32 v63, v3;
	_ =	sdelay $0x2  }
0x8b: {  	s17 =	simm.s32 $0x0  }
0x8c: {  	s18 =	sand.u32 $0x7000, s17;
	s19 =	sand.u32 $0x380, s17;
	[tilespmem:v4+s10+$0x0] =	vst.idx.msk vm0, v0  }
0x8d: {  	s18 =	sor.u32 s19, s18;
	[tilespmem:v3+s10+$0x0] =	vst.idx.msk vm1, v2  }
0x8e: {  	[hbm4b:s4+s11] =	stream.strided.scatter [tilespmem:s10], [sflag:$0x1], $0x8000, s12, s11, $0x38;
	[tilespmem:$0x10200] =	vst v63  }
0x8f: {  	[tilespmem:s18+$0x8E70] =	vst v0  }
0x90: {  	[tilespmem:s18+$0x8200] =	vst v0  }
0x91: {  	[tilespmem:s18+$0x8210] =	vst v0  }
0x92: {  	[tilespmem:s18+$0x8220] =	vst v0  }
0x93: {  	[tilespmem:s18+$0x8230] =	vst v0  }
0x94: {  	[tilespmem:s18+$0x8240] =	vst v0  }
0x95: {  	[tilespmem:s18+$0x8250] =	vst v0  }
0x96: {  	[tilespmem:s18+$0x8260] =	vst v0  }
0x97: {  	[tilespmem:s18+$0x8270] =	vst v0  }
0x98: {  	[tilespmem:s18+$0x8600] =	vst v0  }
0x99: {  	[tilespmem:s18+$0x8610] =	vst v0  }
0x9a: {  	[tilespmem:s18+$0x8620] =	vst v0  }
0x9b: {  	[tilespmem:s18+$0x8630] =	vst v0  }
0x9c: {  	[tilespmem:s18+$0x8640] =	vst v0  }
0x9d: {  	[tilespmem:s18+$0x8650] =	vst v0  }
0x9e: {  	[tilespmem:s18+$0x8660] =	vst v0  }
0x9f: {  	[tilespmem:s18+$0x8670] =	vst v0  }
0xa0: {  	[tilespmem:s18+$0x8A00] =	vst v0  }
0xa1: {  	[tilespmem:s18+$0x8A10] =	vst v0  }
0xa2: {  	[tilespmem:s18+$0x8A20] =	vst v0  }
0xa3: {  	[tilespmem:s18+$0x8A30] =	vst v0  }
0xa4: {  	[tilespmem:s18+$0x8A40] =	vst v0  }
0xa5: {  	[tilespmem:s18+$0x8A50] =	vst v0  }
0xa6: {  	[tilespmem:s18+$0x8A60] =	vst v0  }
0xa7: {  	[tilespmem:s18+$0x8A70] =	vst v0  }
0xa8: {  	[tilespmem:s18+$0x8E00] =	vst v0  }
0xa9: {  	[tilespmem:s18+$0x8E10] =	vst v0  }
0xaa: {  	[tilespmem:s18+$0x8E20] =	vst v0  }
0xab: {  	[tilespmem:s18+$0x8E30] =	vst v0  }
0xac: {  	s20 =	simm.s32 $0x200;
	s19 =	simm.s32 $0x80;
	[tilespmem:s18+$0x8E40] =	vst v0  }
0xad: {  	s21 =	sand.u32 $0x7000, s20;
	s20 =	simm.s32 $0x400;
	s22 =	sand.u32 $0x380, s19;
	[tilespmem:s18+$0x8E50] =	vst v0  }
.LBB2_6:
0xae: {  	p0 =	sne.s32 s20, $0x7E00;
	[tilespmem:s18+$0x8E60] =	vst v0;
	s18 =	sor.u32 s22, s21  }
0xaf: {  	[tilespmem:s18+$0x8E70] =	vst v0  }
0xb0: {  	[tilespmem:s18+$0x8200] =	vst v0  }
0xb1: {  	[tilespmem:s18+$0x8210] =	vst v0  }
0xb2: {  	[tilespmem:s18+$0x8220] =	vst v0  }
0xb3: {  	[tilespmem:s18+$0x8230] =	vst v0  }
0xb4: {  	[tilespmem:s18+$0x8240] =	vst v0  }
0xb5: {  	[tilespmem:s18+$0x8250] =	vst v0  }
0xb6: {  	[tilespmem:s18+$0x8260] =	vst v0  }
0xb7: {  	[tilespmem:s18+$0x8270] =	vst v0  }
0xb8: {  	[tilespmem:s18+$0x8600] =	vst v0  }
0xb9: {  	[tilespmem:s18+$0x8610] =	vst v0  }
0xba: {  	[tilespmem:s18+$0x8620] =	vst v0  }
0xbb: {  	[tilespmem:s18+$0x8630] =	vst v0  }
0xbc: {  	[tilespmem:s18+$0x8640] =	vst v0  }
0xbd: {  	[tilespmem:s18+$0x8650] =	vst v0  }
0xbe: {  	[tilespmem:s18+$0x8660] =	vst v0  }
0xbf: {  	[tilespmem:s18+$0x8670] =	vst v0  }
0xc0: {  	[tilespmem:s18+$0x8A00] =	vst v0  }
0xc1: {  	[tilespmem:s18+$0x8A10] =	vst v0  }
0xc2: {  	[tilespmem:s18+$0x8A20] =	vst v0  }
0xc3: {  	[tilespmem:s18+$0x8A30] =	vst v0  }
0xc4: {  	[tilespmem:s18+$0x8A40] =	vst v0  }
0xc5: {  	[tilespmem:s18+$0x8A50] =	vst v0  }
0xc6: {  	[tilespmem:s18+$0x8A60] =	vst v0  }
0xc7: {  	[tilespmem:s18+$0x8A70] =	vst v0  }
0xc8: {  	[tilespmem:s18+$0x8E00] =	vst v0  }
.Ltmp2:
0xc9: {  	[tilespmem:s18+$0x8E10] =	vst v0;
	(pc) =	sbr.rel @p0 .LBB2_6-.Ltmp2, $4  }
0xca: {  	[tilespmem:s18+$0x8E20] =	vst v0  }
0xcb: {  	[tilespmem:s18+$0x8E30] =	vst v0  }
0xcc: {  	s19 =	sadd.s32 $0x80, s19;
	[tilespmem:s18+$0x8E40] =	vst v0  }
0xcd: {  	s21 =	sand.u32 $0x7000, s20;
	s20 =	sadd.s32 $0x200, s20;
	s22 =	sand.u32 $0x380, s19;
	[tilespmem:s18+$0x8E50] =	vst v0  }
0xce: {  	s19 =	sor.u32 s22, s21;
	[tilespmem:s18+$0x8E60] =	vst v0  }
0xcf: {  	[tilespmem:s19+$0x8E70] =	vst v0  }
0xd0: {  	[tilespmem:s19+$0x8200] =	vst v0  }
0xd1: {  	[tilespmem:s19+$0x8210] =	vst v0  }
0xd2: {  	[tilespmem:s19+$0x8220] =	vst v0  }
0xd3: {  	[tilespmem:s19+$0x8230] =	vst v0  }
0xd4: {  	[tilespmem:s19+$0x8240] =	vst v0  }
0xd5: {  	[tilespmem:s19+$0x8250] =	vst v0  }
0xd6: {  	[tilespmem:s19+$0x8260] =	vst v0  }
0xd7: {  	[tilespmem:s19+$0x8270] =	vst v0  }
0xd8: {  	[tilespmem:s19+$0x8600] =	vst v0  }
0xd9: {  	[tilespmem:s19+$0x8610] =	vst v0  }
0xda: {  	[tilespmem:s19+$0x8620] =	vst v0  }
0xdb: {  	[tilespmem:s19+$0x8630] =	vst v0  }
0xdc: {  	[tilespmem:s19+$0x8640] =	vst v0  }
0xdd: {  	[tilespmem:s19+$0x8650] =	vst v0  }
0xde: {  	[tilespmem:s19+$0x8660] =	vst v0  }
0xdf: {  	[tilespmem:s19+$0x8670] =	vst v0  }
0xe0: {  	[tilespmem:s19+$0x8A00] =	vst v0  }
0xe1: {  	[tilespmem:s19+$0x8A10] =	vst v0  }
0xe2: {  	[tilespmem:s19+$0x8A20] =	vst v0  }
0xe3: {  	[tilespmem:s19+$0x8A30] =	vst v0  }
0xe4: {  	[tilespmem:s19+$0x8A40] =	vst v0  }
0xe5: {  	[tilespmem:s19+$0x8A50] =	vst v0  }
0xe6: {  	[tilespmem:s19+$0x8A60] =	vst v0  }
0xe7: {  	[tilespmem:s19+$0x8A70] =	vst v0  }
0xe8: {  	[tilespmem:s19+$0x8E00] =	vst v0  }
0xe9: {  	[tilespmem:s19+$0x8E10] =	vst v0  }
0xea: {  	[tilespmem:s19+$0x8E20] =	vst v0  }
0xeb: {  	[tilespmem:s19+$0x8E30] =	vst v0  }
0xec: {  	[tilespmem:s19+$0x8E40] =	vst v0  }
0xed: {  	[tilespmem:s19+$0x8E50] =	vst v0  }
0xee: {  	[tilespmem:s19+$0x8E60] =	vst v0  }
0xef: {  	v3 =	vld [tilespmem:s17+$0x0];
	_ =	sdelay $0x2  }
0xf0: {  	v4 =	vmov s17;
	v5 =	vor.u32 s17, v1  }
0xf1: {  	v4 =	vshll.u32 v4, $0x3;
	v5 =	vand.u32 $0x7F, v5  }
0xf2: {  	v6 =	vadd.s32 $0xFFFFFFC0, v3;
	v7 =	vshll.u32 v3, $0x9;
	v8 =	vshll.u32 v3, $0x7  }
0xf3: {  	v7 =	vand.u32 $0xFFFFF000, v7;
	v8 =	vand.u32 $0x380, v8;
	v9 =	vshll.u32 v6, $0x9  }
0xf4: {  	v4 =	vand.u32 $0xC00, v4;
	v7 =	vor.u32 v8, v7;
	v9 =	vand.u32 $0xFFFFF000, v9  }
0xf5: {  	vm1 =	vgt.u32 v3, $0xFFFFFFBF;
	v7 =	vor.u32 v4, v7;
	v4 =	vor.u32 v9, v4  }
0xf6: {  	vm0 =	vlt.u32 v6, $0x40;
	v6 =	vor.u32 v5, v7;
	v5 =	vor.u32 v5, v4  }
0xf7: {  	s18 =	simm.s32 $0x10;
	v4 =	vadd.s32 $0x8000, v6;
	v3 =	vor.u32 v8, v5  }
.LBB2_8:
0xf8: {  	p0 =	sne.s32 s18, $0x1F0  }
0xf9: {  	s17 =	sadd.s32 $0x10, s17;
	s19 =	smov.u32 s18;
	s18 =	sadd.s32 $0x10, s18  }
0xfa: {  	_ =	sdelay $0x1  }
0xfb: {  	[tilespmem:v4+s13+$0x0] =	vst.idx.msk vm1, v0  }
0xfc: {  	[tilespmem:v3+s13+$0x0] =	vst.idx.msk vm0, v2  }
0xfd: {  	v4 =	vmov s19;
	v3 =	vld [tilespmem:s17+$0x0]  }
0xfe: {  	v5 =	vor.u32 s19, v1;
	_ =	sdelay $0x1  }
0xff: {  	v5 =	vand.u32 $0x7F, v5;
	v4 =	vshll.u32 v4, $0x3  }
0x100: {  	v4 =	vand.u32 $0xC00, v4  }
0x101: {  	v6 =	vadd.s32 $0xFFFFFFC0, v3;
	v7 =	vshll.u32 v3, $0x9;
	v8 =	vshll.u32 v3, $0x7  }
.Ltmp3:
0x102: {  	v7 =	vand.u32 $0xFFFFF000, v7;
	v8 =	vand.u32 $0x380, v8;
	v9 =	vshll.u32 v6, $0x9;
	(pc) =	sbr.rel @p0 .LBB2_8-.Ltmp3, $4  }
0x103: {  	vm0 =	vlt.u32 v6, $0x40;
	v7 =	vor.u32 v8, v7;
	v6 =	vand.u32 $0xFFFFF000, v9  }
0x104: {  	v7 =	vor.u32 v4, v7;
	v4 =	vor.u32 v6, v4  }
0x105: {  	vm1 =	vgt.u32 v3, $0xFFFFFFBF;
	v3 =	vor.u32 v5, v7;
	v5 =	vor.u32 v5, v4  }
0x106: {  	v4 =	vadd.s32 $0x8000, v3;
	v3 =	vor.u32 v8, v5  }
0x107: {  	_ =	sdelay $0x4  }
0x108: {  	[tilespmem:v4+s13+$0x0] =	vst.idx.msk vm1, v0  }
0x109: {  	s17 =	simm.s32 $0x1;
	[tilespmem:v3+s13+$0x0] =	vst.idx.msk vm0, v2  }
0x10a: {  	[hbm4b:s5+s11] =	stream.strided.scatter [tilespmem:s13], [sflag:$0x2], $0x8000, s12, s11, $0x38;
	[tilespmem:$0x10200] =	vst v63  }
.LBB2_10:
0x10b: {  	_ =	swait.ge [sflag:s14], $0x8000  }
0x10c: {  	[sflag:s14] =	ssyncset.done $0x0  }
0x10d: {  	s19 =	simm.s32 $0x0;
	[sflag:s14] =	ssyncadd.s32 $0xFFFF8000  }
0x10e: {  	s18 =	sshll.u32 s17, $0x7;
	v4 =	vld [tilespmem:s19+$0x0]  }
0x10f: {  	s20 =	simm.s32 $0x10;
	s21 =	simm.s32 $0x0;
	v3 =	vmov s18  }
.LBB2_11:
0x110: {  	p0 =	sne.s32 s20, $0x1F0;
	_ =	sdelay $0x1  }
0x111: {  	v5 =	vmov s19  }
0x112: {  	v6 =	vor.u32 s19, v1;
	s19 =	smov.u32 s20;
	v5 =	vshll.u32 v5, $0x3;
	v7 =	vsub.s32 v4, v3  }
0x113: {  	v8 =	vadd.s32 $0x80, v7;
	vm0 =	vlt.u32 v7, $0x40;
	v7 =	vshll.u32 v7, $0x9  }
0x114: {  	v5 =	vand.u32 $0xC00, v5;
	v9 =	vshll.u32 v8, $0x9;
	v7 =	vand.u32 $0xFFFFF000, v7  }
0x115: {  	v6 =	vand.u32 $0x7F, v6;
	v9 =	vand.u32 $0xFFFFF000, v9;
	v7 =	vor.u32 v7, v5  }
0x116: {  	v4 =	vshll.u32 v4, $0x7;
	v5 =	vor.u32 v9, v5;
	v7 =	vor.u32 v6, v7  }
0x117: {  	v4 =	vand.u32 $0x380, v4;
	vm1 =	vlt.u32 v8, $0x40;
	v5 =	vor.u32 v6, v5  }
0x118: {  	v5 =	vor.u32 v4, v5;
	v4 =	vor.u32 v4, v7;
	_ =	sdelay $0x3  }
.Ltmp4:
0x119: {  	(pc) =	sbr.rel @p0 .LBB2_11-.Ltmp4, $4  }
0x11a: {  	[tilespmem:v5+s10+$0x0] =	vst.idx.msk vm1, v0  }
0x11b: {  	s21 =	sadd.s32 $0x10, s21;
	[tilespmem:v4+s10+$0x0] =	vst.idx.msk vm0, v2  }
0x11c: {  	v4 =	vld [tilespmem:s21+$0x0]  }
0x11d: {  	s20 =	sadd.s32 $0x10, s20  }
0x11e: {  	_ =	sdelay $0x2  }
0x11f: {  	v5 =	vmov s19;
	v3 =	vsub.s32 v4, v3  }
0x120: {  	v9 =	vor.u32 s19, v1;
	v5 =	vshll.u32 v5, $0x3;
	v6 =	vadd.s32 $0x80, v3  }
0x121: {  	v63 =	vand.u32 $0x7F, v9;
	v7 =	vshll.u32 v3, $0x9;
	v8 =	vshll.u32 v6, $0x9  }
0x122: {  	v5 =	vand.u32 $0xC00, v5;
	v7 =	vand.u32 $0xFFFFF000, v7;
	v8 =	vand.u32 $0xFFFFF000, v8  }
0x123: {  	v4 =	vshll.u32 v4, $0x7;
	v7 =	vor.u32 v7, v5;
	v5 =	vor.u32 v8, v5  }
0x124: {  	v4 =	vand.u32 $0x380, v4;
	vm0 =	vlt.u32 v6, $0x40;
	v5 =	vor.u32 v63, v5  }
0x125: {  	vm1 =	vlt.u32 v3, $0x40;
	v3 =	vor.u32 v63, v7;
	v5 =	vor.u32 v4, v5  }
0x126: {  	v3 =	vor.u32 v4, v3;
	_ =	sdelay $0x3  }
0x127: {  	s31 =	sshll.u32 s17, $0x12;
	[tilespmem:v5+s10+$0x0] =	vst.idx.msk vm0, v0  }
0x128: {  	s19 =	sadd.s32 s31, s4;
	[tilespmem:v3+s10+$0x0] =	vst.idx.msk vm1, v2  }
0x129: {  	[hbm4b:s19+s11] =	stream.strided.scatter [tilespmem:s10], [sflag:$0x1], $0x8000, s12, s11, $0x38;
	[tilespmem:$0x10200] =	vst v63  }
0x12a: {  	_ =	swait.ge [sflag:s15], $0x8000  }
0x12b: {  	[sflag:s15] =	ssyncset.done $0x0  }
0x12c: {  	s19 =	simm.s32 $0x0;
	[sflag:s15] =	ssyncadd.s32 $0xFFFF8000  }
0x12d: {  	s18 =	sor.u32 $0x40, s18;
	v4 =	vld [tilespmem:s19+$0x0]  }
0x12e: {  	s20 =	simm.s32 $0x10;
	s21 =	simm.s32 $0x0;
	v3 =	vmov s18  }
.LBB2_13:
0x12f: {  	p0 =	sne.s32 s20, $0x1F0;
	_ =	sdelay $0x1  }
0x130: {  	v5 =	vmov s19  }
0x131: {  	v6 =	vor.u32 s19, v1;
	s19 =	smov.u32 s20;
	v5 =	vshll.u32 v5, $0x3;
	v7 =	vsub.s32 v4, v3  }
0x132: {  	v8 =	vadd.s32 $0x80, v7;
	vm0 =	vlt.u32 v7, $0x40;
	v7 =	vshll.u32 v7, $0x9  }
0x133: {  	v5 =	vand.u32 $0xC00, v5;
	v9 =	vshll.u32 v8, $0x9;
	v7 =	vand.u32 $0xFFFFF000, v7  }
0x134: {  	v6 =	vand.u32 $0x7F, v6;
	v9 =	vand.u32 $0xFFFFF000, v9;
	v7 =	vor.u32 v7, v5  }
0x135: {  	v4 =	vshll.u32 v4, $0x7;
	v5 =	vor.u32 v9, v5;
	v7 =	vor.u32 v6, v7  }
0x136: {  	v4 =	vand.u32 $0x380, v4;
	vm1 =	vlt.u32 v8, $0x40;
	v5 =	vor.u32 v6, v5  }
0x137: {  	v5 =	vor.u32 v4, v5;
	v4 =	vor.u32 v4, v7;
	_ =	sdelay $0x3  }
.Ltmp5:
0x138: {  	(pc) =	sbr.rel @p0 .LBB2_13-.Ltmp5, $4  }
0x139: {  	[tilespmem:v5+s13+$0x0] =	vst.idx.msk vm1, v0  }
0x13a: {  	s21 =	sadd.s32 $0x10, s21;
	[tilespmem:v4+s13+$0x0] =	vst.idx.msk vm0, v2  }
0x13b: {  	v4 =	vld [tilespmem:s21+$0x0]  }
0x13c: {  	s20 =	sadd.s32 $0x10, s20  }
0x13d: {  	_ =	sdelay $0x2  }
0x13e: {  	v5 =	vmov s19;
	v3 =	vsub.s32 v4, v3  }
0x13f: {  	v9 =	vor.u32 s19, v1;
	v5 =	vshll.u32 v5, $0x3;
	v6 =	vadd.s32 $0x80, v3  }
0x140: {  	v62 =	vand.u32 $0x7F, v9;
	v7 =	vshll.u32 v3, $0x9;
	v8 =	vshll.u32 v6, $0x9  }
0x141: {  	v5 =	vand.u32 $0xC00, v5;
	v7 =	vand.u32 $0xFFFFF000, v7;
	v8 =	vand.u32 $0xFFFFF000, v8  }
0x142: {  	v63 =	vshll.u32 v4, $0x7;
	v7 =	vor.u32 v7, v5;
	v5 =	vor.u32 v8, v5  }
0x143: {  	v4 =	vand.u32 $0x380, v63;
	vm0 =	vlt.u32 v6, $0x40;
	v5 =	vor.u32 v62, v5  }
0x144: {  	vm1 =	vlt.u32 v3, $0x40;
	v3 =	vor.u32 v62, v7;
	v5 =	vor.u32 v4, v5  }
0x145: {  	s17 =	sadd.s32 $0x1, s17;
	v3 =	vor.u32 v4, v3  }
0x146: {  	p0 =	sne.s32 s17, $0x7  }
.Ltmp6:
0x147: {  	_ = 	snop;
	(pc) =	sbr.rel @p0 .LBB2_10-.Ltmp6, $4  }
0x148: {  	_ = 	snop  }
0x149: {  	s18 =	sshll.u32 s18, $0xB;
	[tilespmem:v5+s13+$0x0] =	vst.idx.msk vm0, v0  }
0x14a: {  	s18 =	sadd.s32 s18, s4;
	[tilespmem:v3+s13+$0x0] =	vst.idx.msk vm1, v2  }
0x14b: {  	[hbm4b:s18+s11] =	stream.strided.scatter [tilespmem:s13], [sflag:$0x2], $0x8000, s12, s11, $0x38;
	[tilespmem:$0x10200] =	vst v63  }
0x14c: {  	_ =	swait.ge [sflag:s14], $0x8000  }
0x14d: {  	[sflag:s14] =	ssyncset.done $0x0  }
0x14e: {  	s17 =	simm.s32 $0x0;
	[sflag:s14] =	ssyncadd.s32 $0xFFFF8000  }
0x14f: {  	v3 =	vld [tilespmem:s17+$0x0];
	_ =	sdelay $0x2  }
0x150: {  	v4 =	vmov s17;
	v5 =	vor.u32 s17, v1  }
0x151: {  	v4 =	vshll.u32 v4, $0x3;
	v5 =	vand.u32 $0x7F, v5  }
0x152: {  	v4 =	vand.u32 $0xC00, v4;
	v6 =	vadd.s32 $0xFFFFFC80, v3;
	v7 =	vadd.s32 $0xFFFFFD00, v3  }
0x153: {  	v3 =	vshll.u32 v3, $0x7;
	v8 =	vshll.u32 v7, $0x9;
	v9 =	vshll.u32 v6, $0x9  }
0x154: {  	v3 =	vand.u32 $0x380, v3;
	v8 =	vand.u32 $0xFFFFF000, v8;
	v9 =	vand.u32 $0xFFFFF000, v9  }
0x155: {  	vm0 =	vlt.u32 v6, $0x40;
	v8 =	vor.u32 v8, v4;
	v4 =	vor.u32 v9, v4  }
0x156: {  	vm1 =	vlt.u32 v7, $0x40;
	v6 =	vor.u32 v5, v8;
	v5 =	vor.u32 v5, v4  }
0x157: {  	s18 =	simm.s32 $0x10;
	v4 =	vor.u32 v3, v6;
	v3 =	vor.u32 v3, v5  }
.LBB2_16:
0x158: {  	_ =	sdelay $0x1  }
0x159: {  	p0 =	sne.s32 s18, $0x1F0  }
0x15a: {  	s17 =	sadd.s32 $0x10, s17;
	s19 =	smov.u32 s18;
	s18 =	sadd.s32 $0x10, s18  }
0x15b: {  	[tilespmem:v4+s10+$0x0] =	vst.idx.msk vm1, v0  }
0x15c: {  	[tilespmem:v3+s10+$0x0] =	vst.idx.msk vm0, v2  }
0x15d: {  	v3 =	vld [tilespmem:s17+$0x0];
	_ =	sdelay $0x1  }
0x15e: {  	v4 =	vmov s19;
	v5 =	vor.u32 s19, v1  }
0x15f: {  	v4 =	vshll.u32 v4, $0x3  }
0x160: {  	v4 =	vand.u32 $0xC00, v4  }
0x161: {  	v6 =	vadd.s32 $0xFFFFFC80, v3;
	v7 =	vadd.s32 $0xFFFFFD00, v3;
	v3 =	vshll.u32 v3, $0x7  }
.Ltmp7:
0x162: {  	v8 =	vshll.u32 v7, $0x9;
	v3 =	vand.u32 $0x380, v3;
	v9 =	vshll.u32 v6, $0x9;
	(pc) =	sbr.rel @p0 .LBB2_16-.Ltmp7, $4  }
0x163: {  	v5 =	vand.u32 $0x7F, v5;
	v8 =	vand.u32 $0xFFFFF000, v8;
	v9 =	vand.u32 $0xFFFFF000, v9  }
0x164: {  	vm0 =	vlt.u32 v6, $0x40;
	v8 =	vor.u32 v8, v4;
	v4 =	vor.u32 v9, v4  }
0x165: {  	vm1 =	vlt.u32 v7, $0x40;
	v6 =	vor.u32 v5, v8;
	v5 =	vor.u32 v5, v4  }
0x166: {  	v4 =	vor.u32 v3, v6;
	v3 =	vor.u32 v3, v5  }
0x167: {  	_ =	sdelay $0x4  }
0x168: {  	[tilespmem:v4+s10+$0x0] =	vst.idx.msk vm1, v0  }
0x169: {  	[tilespmem:v3+s10+$0x0] =	vst.idx.msk vm0, v2  }
0x16a: {  	[hbm4b:s6+s11] =	stream.strided.scatter [tilespmem:s10], [sflag:$0x1], $0x8000, s12, s11, $0x38;
	[tilespmem:$0x10200] =	vst v63  }
0x16b: {  	_ =	swait.ge [sflag:s15], $0x8000  }
0x16c: {  	[sflag:s15] =	ssyncset.done $0x0  }
0x16d: {  	s17 =	simm.s32 $0x0;
	[sflag:s15] =	ssyncadd.s32 $0xFFFF8000  }
0x16e: {  	v3 =	vld [tilespmem:s17+$0x0];
	_ =	sdelay $0x2  }
0x16f: {  	v4 =	vmov s17;
	v5 =	vor.u32 s17, v1  }
0x170: {  	v4 =	vshll.u32 v4, $0x3;
	v5 =	vand.u32 $0x7F, v5  }
0x171: {  	v4 =	vand.u32 $0xC00, v4;
	v6 =	vadd.s32 $0xFFFFFC40, v3;
	v7 =	vadd.s32 $0xFFFFFCC0, v3  }
0x172: {  	v3 =	vshll.u32 v3, $0x7;
	v8 =	vshll.u32 v7, $0x9;
	v9 =	vshll.u32 v6, $0x9  }
0x173: {  	v3 =	vand.u32 $0x380, v3;
	v8 =	vand.u32 $0xFFFFF000, v8;
	v9 =	vand.u32 $0xFFFFF000, v9  }
0x174: {  	vm0 =	vlt.u32 v6, $0x28;
	v8 =	vor.u32 v8, v4;
	v4 =	vor.u32 v9, v4  }
0x175: {  	vm1 =	vlt.u32 v7, $0x40;
	v6 =	vor.u32 v5, v8;
	v5 =	vor.u32 v5, v4  }
0x176: {  	s18 =	simm.s32 $0x10;
	v4 =	vor.u32 v3, v6;
	v3 =	vor.u32 v3, v5  }
.LBB2_18:
0x177: {  	_ =	sdelay $0x1  }
0x178: {  	p0 =	sne.s32 s18, $0x1F0  }
0x179: {  	s17 =	sadd.s32 $0x10, s17;
	s19 =	smov.u32 s18;
	s18 =	sadd.s32 $0x10, s18  }
0x17a: {  	[tilespmem:v4+s13+$0x0] =	vst.idx.msk vm1, v0  }
0x17b: {  	[tilespmem:v3+s13+$0x0] =	vst.idx.msk vm0, v2  }
0x17c: {  	v3 =	vld [tilespmem:s17+$0x0];
	_ =	sdelay $0x1  }
0x17d: {  	v4 =	vmov s19;
	v5 =	vor.u32 s19, v1  }
0x17e: {  	v4 =	vshll.u32 v4, $0x3  }
0x17f: {  	v4 =	vand.u32 $0xC00, v4  }
0x180: {  	v6 =	vadd.s32 $0xFFFFFC40, v3;
	v7 =	vadd.s32 $0xFFFFFCC0, v3;
	v3 =	vshll.u32 v3, $0x7  }
.Ltmp8:
0x181: {  	v8 =	vshll.u32 v7, $0x9;
	v3 =	vand.u32 $0x380, v3;
	v9 =	vshll.u32 v6, $0x9;
	(pc) =	sbr.rel @p0 .LBB2_18-.Ltmp8, $4  }
0x182: {  	v5 =	vand.u32 $0x7F, v5;
	v8 =	vand.u32 $0xFFFFF000, v8;
	v9 =	vand.u32 $0xFFFFF000, v9  }
0x183: {  	vm0 =	vlt.u32 v6, $0x28;
	v8 =	vor.u32 v8, v4;
	v4 =	vor.u32 v9, v4  }
0x184: {  	vm1 =	vlt.u32 v7, $0x40;
	v6 =	vor.u32 v5, v8;
	v5 =	vor.u32 v5, v4  }
0x185: {  	v4 =	vor.u32 v3, v6;
	v3 =	vor.u32 v3, v5  }
0x186: {  	_ =	sdelay $0x4  }
0x187: {  	[tilespmem:v4+s13+$0x0] =	vst.idx.msk vm1, v0  }
0x188: {  	s16 =	sadd.s32 $0x1, s16;
	[tilespmem:v3+s13+$0x0] =	vst.idx.msk vm0, v2  }
0x189: {  	[hbm4b:s7+s11] =	stream.strided.scatter [tilespmem:s13], [sflag:$0x2], $0x5000, s12, s11, $0x38;
	[tilespmem:$0x10200] =	vst v63  }
0x18a: {  	p0 =	sne.s32 s16, s8;
	_ =	swait.ge [sflag:s14], $0x8000  }
.Ltmp9:
0x18b: {  	[sflag:s14] =	ssyncset.done $0x0;
	(pc) =	sbr.rel @p0 .LBB2_1-.Ltmp9, $4  }
0x18c: {  	[sflag:s14] =	ssyncadd.s32 $0xFFFF8000  }
0x18d: {  	_ =	swait.ge [sflag:s15], $0x5000  }
0x18e: {  	[sflag:s15] =	ssyncset.done $0x0  }
0x18f: {  	[sflag:s15] =	ssyncadd.s32 $0xFFFFB000  }
0x190: {  	_ =	sfence.sel $0x180000  }
0x191: {  	[bflag:$0x0] =	sbarrier.arrive $0xFFFF  }
0x192: {  	p0 =	sne.s32 s1, $0x0;
	_ =	strace $0x90000047  }
0x193: {  	s0 =	sadd.s32 @!p0 $0x100000, s0;
	[bflag:$0x2] =	sbarrier.arrive $0xFFFF  }
0x194: {  	[sflag:s0] =	ssyncadd.tile.s32 @!p0 $0x1;
	_ =	shalt  }
.Lfunc_end2:
_tile_overlayer_lowered:
.L_overlay_start_2:
0x195: {  	(tag) =	ssettag $0x2  }
0x196: {  	s0 =	rddreg [dreg:$0x0];
	s2 =	stileid.u32  }
0x197: {  	s1 =	rddreg [dreg:$0x1];
	p0 =	sne.s32 s2, $0x0  }
0x198: {  	s3 =	rddreg [dreg:$0x2];
	[bflag:$0x3] =	sbarrier.arrive $0xFFFF;
	s2 =	simm.s32 @!p0 $0x1C04  }
0x199: {  	[timem:s3], [sflag:s2] =	dma.local @!p0 [hbm:s0], s1  }
0x19a: {  	s0 =	simm.s32 @!p0 $0x4  }
0x19b: {  	_ =	swait.ge @!p0 [sflag:s0], s1  }
0x19c: {  	s1 =	ssub.s32 @!p0 $0x0, s1;
	[sflag:s0] =	ssyncset.done @!p0 $0x0  }
0x19d: {  	[sflag:s0] =	ssyncadd.s32 @!p0 s1  }
0x19e: {  	[bflag:$0x3] =	sbarrier.arrive $0xFFFF  }
0x19f: {  	_ =	shalt  }

</sc_bundles>
